<compile_context>
chip_gen: v7x
topology: tpu7x:2x2x1
jax: 0.10.2.dev20260603
libtpu: 0.0.44.dev20260713+nightly
codegen_flags: <defaults>
</compile_context>

<pallas_src>
import jax
import jax.numpy as jnp
from jax import lax
from jax.experimental import pallas as pl
from jax.experimental.pallas import tpu as pltpu
from jax.experimental.pallas import tpu_sc as plsc

_EMB = 64
_SEQ = 200
_NTAGS_PAD = 1024
_NBUF = 6


def _cbow_body(words_hbm, tablet_hbm, wt_hbm, bias_hbm, out_hbm,
               words_v, tiles_v, part_v, shared_sp, sblk_v, sv_v,
               wv, bias_v, res_v, tsems, wsem, bsem):
    s = lax.axis_index("s")
    iota16 = lax.iota(jnp.int32, 16)

    wcol0 = pl.multiple_of((s >> 1) * 128, 128)
    wcp = pltpu.async_copy(wt_hbm.at[:, pl.ds(wcol0, 128)], wv, wsem)
    bcp = pltpu.async_copy(bias_hbm.at[pl.ds(s * 64, 64)], bias_v, bsem)

    pltpu.sync_copy(words_hbm, words_v.at[pl.ds(0, _SEQ)])
    wvec = plsc.load_gather(words_v, [s + 16 * iota16])

    def issue(j):
        w = wvec[j]
        col0 = pl.multiple_of((w >> 7) * 128, 128)
        return pltpu.async_copy(tablet_hbm.at[:, pl.ds(col0, 128)],
                                tiles_v.at[j % _NBUF], tsems[j % _NBUF])

    def extract(j, accs):
        lane = jnp.full((16,), wvec[j] & 127, jnp.int32)
        buf = jnp.full((16,), j % _NBUF, jnp.int32)
        return [acc + plsc.load_gather(tiles_v, [buf, iota16 + g * 16, lane])
                for g, acc in enumerate(accs)]

    accs = [jnp.zeros((16,), jnp.float32) for _ in range(4)]
    cps = [issue(j) for j in range(_NBUF - 1)]
    for j in range(_NBUF - 1, 12):
        cps.append(issue(j))
        cps[j - (_NBUF - 1)].wait()
        accs = extract(j - (_NBUF - 1), accs)
    for j in range(12 - (_NBUF - 1), 12):
        cps[j].wait()
        accs = extract(j, accs)
    for g in range(4):
        part_v[pl.ds(g * 16, 16)] = accs[g]

    @pl.when(s < _SEQ - 192)
    def _thirteenth():
        cp = issue(12)
        cp.wait()
        accs2 = [part_v[pl.ds(g * 16, 16)] for g in range(4)]
        accs2 = extract(12, accs2)
        for g in range(4):
            part_v[pl.ds(g * 16, 16)] = accs2[g]

    pltpu.sync_copy(part_v, shared_sp.at[s])
    plsc.subcore_barrier()
    pltpu.sync_copy(shared_sp, sblk_v)

    def red_body(r, accs):
        row = jnp.full((16,), r, jnp.int32)
        return tuple(
            acc + plsc.load_gather(sblk_v, [row, iota16 + g * 16])
            for g, acc in enumerate(accs))

    svecs = lax.fori_loop(
        0, 16, red_body, tuple(jnp.zeros((16,), jnp.float32) for _ in range(4)))
    for g in range(4):
        sv_v[pl.ds(g * 16, 16)] = svecs[g]

    wcp.wait()
    bcp.wait()
    lanes0 = (s & 1) * 64 + iota16

    def mv_body(e, accs):
        erow = jnp.full((16,), e, jnp.int32)
        se16 = plsc.load_gather(sv_v, [erow])
        return tuple(
            acc + se16 * plsc.load_gather(wv, [erow, lanes0 + q * 16])
            for q, acc in enumerate(accs))

    accs_o = lax.fori_loop(
        0, _EMB, mv_body, tuple(bias_v[pl.ds(q * 16, 16)] for q in range(4)))
    for q in range(4):
        res_v[pl.ds(q * 16, 16)] = accs_o[q]
    pltpu.sync_copy(res_v, out_hbm.at[pl.ds(s * 64, 64)])


_mesh = plsc.VectorSubcoreMesh(core_axis_name="c", subcore_axis_name="s",
                               num_cores=1, num_subcores=16)

_cbow_call = pl.kernel(
    _cbow_body,
    out_type=jax.ShapeDtypeStruct((_NTAGS_PAD,), jnp.float32),
    mesh=_mesh,
    scratch_types=[
        pltpu.VMEM((256,), jnp.int32),
        pltpu.VMEM((_NBUF, _EMB, 128), jnp.float32),
        pltpu.VMEM((128,), jnp.float32),
        pltpu.VMEM_SHARED((16, 128), jnp.float32),
        pltpu.VMEM((16, 128), jnp.float32),
        pltpu.VMEM((_EMB,), jnp.float32),
        pltpu.VMEM((_EMB, 128), jnp.float32),
        pltpu.VMEM((64,), jnp.float32),
        pltpu.VMEM((64,), jnp.float32),
        [pltpu.SemaphoreType.DMA] * _NBUF,
        pltpu.SemaphoreType.DMA,
        pltpu.SemaphoreType.DMA,
    ],
    compiler_params=pltpu.CompilerParams(use_tc_tiling_on_sc=True,
                                         needs_layout_passes=False),
)


@jax.jit
def kernel(words, emb_table, W, bias):
    words = words.astype(jnp.int32)
    out = _cbow_call(words, emb_table.T, W.T, bias.reshape(-1))
    return out[: bias.size].reshape(1, -1)

# --- scband reference (transcript-rebuilt; emitter-appended) ---
"""Pipeline reference for scband-cbo-w-12352325944075 (READ-ONLY COPY).

The authoritative reference and input builder live on the scoring server;
editing this copy changes nothing except your own understanding.
"""

import jax, jax.numpy as jnp
import numpy as np

NWORDS = 1000000
NTAGS = 1000
EMB = 64
SEQ = 200

def setup_inputs(seed: int = 0) -> dict:
    key = jax.random.key(seed)
    k1, k2, k3, k4 = jax.random.split(key, 4)
    words = jax.random.randint(k1, (SEQ,), 0, NWORDS, dtype=jnp.int64 if jax.config.jax_enable_x64 else jnp.int32)
    # xavier-uniform-ish init for learned params
    emb_table = jax.random.uniform(k2, (NWORDS, EMB), dtype=jnp.float32, minval=-1.0, maxval=1.0) * float(np.sqrt(6.0 / (NWORDS + EMB)))
    W = jax.random.uniform(k3, (NTAGS, EMB), dtype=jnp.float32, minval=-1.0, maxval=1.0) * float(np.sqrt(6.0 / (NTAGS + EMB)))
    bias = jax.random.uniform(k4, (1, NTAGS), dtype=jnp.float32, minval=-1.0, maxval=1.0) * float(np.sqrt(6.0 / (1 + NTAGS)))
    return {"words": words, "emb_table": emb_table, "W": W, "bias": bias}

def reference(words, emb_table, W, bias):
    # emb = self.emb(words)  -> gather rows
    emb = jnp.take(emb_table, words, axis=0)          # [SEQ, EMB]
    # torch.sum(emb, dim=0).view(-1, 1)
    s = jnp.sum(emb, axis=0).reshape(-1, 1)           # [EMB, 1]
    # torch.matmul(W, s).view(1, -1) + bias
    out = jnp.matmul(W, s).reshape(1, -1) + bias      # [1, NTAGS]
    return out

if __name__ == "__main__":
    import jax
    _d = setup_inputs()
    print(jax.jit(kernel)(*tuple(_d.values())))

</pallas_src>

<mosaic_0001>
#map = affine_map<(d0, d1) -> (0)>
#map1 = affine_map<(d0, d1) -> (0, 0)>
module attributes {stable_mosaic.version = 14 : i64} {
  func.func @_cbow_body(%arg0: i32, %arg1: i32, %arg2: memref<200xi32, #tpu.memory_space<hbm>>, %arg3: memref<64x1000000xf32, #tpu.memory_space<hbm>>, %arg4: memref<64x1000xf32, #tpu.memory_space<hbm>>, %arg5: memref<1000xf32, #tpu.memory_space<hbm>>, %arg6: memref<1024xf32, #tpu.memory_space<hbm>>, %arg7: memref<256xi32, #tpu.memory_space<vmem>>, %arg8: memref<6x64x128xf32, #tpu.memory_space<vmem>>, %arg9: memref<128xf32, #tpu.memory_space<vmem>>, %arg10: memref<16x128xf32, #tpu.memory_space<vmem_shared>>, %arg11: memref<16x128xf32, #tpu.memory_space<vmem>>, %arg12: memref<64xf32, #tpu.memory_space<vmem>>, %arg13: memref<64x128xf32, #tpu.memory_space<vmem>>, %arg14: memref<64xf32, #tpu.memory_space<vmem>>, %arg15: memref<64xf32, #tpu.memory_space<vmem>>, %arg16: memref<!tpu.dma_semaphore, #tpu.memory_space<semaphore_mem>>, %arg17: memref<!tpu.dma_semaphore, #tpu.memory_space<semaphore_mem>>, %arg18: memref<!tpu.dma_semaphore, #tpu.memory_space<semaphore_mem>>, %arg19: memref<!tpu.dma_semaphore, #tpu.memory_space<semaphore_mem>>, %arg20: memref<!tpu.dma_semaphore, #tpu.memory_space<semaphore_mem>>, %arg21: memref<!tpu.dma_semaphore, #tpu.memory_space<semaphore_mem>>, %arg22: memref<!tpu.dma_semaphore, #tpu.memory_space<semaphore_mem>>, %arg23: memref<!tpu.dma_semaphore, #tpu.memory_space<semaphore_mem>>) attributes {dimension_semantics = [#tpu.dimension_semantics<core_parallel>, #tpu.dimension_semantics<subcore_parallel>], iteration_bounds = array<i64: 1, 16>, scalar_prefetch = 0 : i64, scratch_operands = 17 : i64, tpu.core_type = #tpu.core_type<sc_vector_subcore>, window_params = [{transform_indices = #map}, {transform_indices = #map1}, {transform_indices = #map1}, {transform_indices = #map}, {transform_indices = #map}]} {
    %iota3A = tpu.iota {dimensions = array<i32: 0>} : vector<16xi32>
    %shift_right_arithmetic3A = arith.constant 1 : i32
    %shift_right_arithmetic3A_0 = arith.shrsi %arg1, %shift_right_arithmetic3A : i32
    %mul3A = arith.constant 128 : i32
    %mul3A_1 = arith.muli %shift_right_arithmetic3A_0, %mul3A : i32
    %multiple_of3A = tpu.assume_multiple %mul3A_1, 128 : i32
    %dma_start3A = arith.constant 0 : i32
    %dma_start3A_2 = tpu.memref_slice %arg4[%dma_start3A, %multiple_of3A] : memref<64x1000xf32, #tpu.memory_space<hbm>> -> memref<64x128xf32, #tpu.memory_space<hbm>>
    %dma_start3A_3 = arith.constant 0 : i32
    %dma_start3A_4 = tpu.memref_slice %arg4[%dma_start3A_3, %multiple_of3A] : memref<64x1000xf32, #tpu.memory_space<hbm>> -> memref<64x128xf32, #tpu.memory_space<hbm>>
    tpu.enqueue_dma source(%dma_start3A_4 : memref<64x128xf32, #tpu.memory_space<hbm>>) target(%arg13 : memref<64x128xf32, #tpu.memory_space<vmem>>) target_semaphore(%arg22 : memref<!tpu.dma_semaphore, #tpu.memory_space<semaphore_mem>>)
    %mul3A_5 = arith.constant 64 : i32
    %mul3A_6 = arith.muli %arg1, %mul3A_5 : i32
    %dma_start3A_7 = tpu.memref_slice %arg5[%mul3A_6] : memref<1000xf32, #tpu.memory_space<hbm>> -> memref<64xf32, #tpu.memory_space<hbm>>
    %dma_start3A_8 = tpu.memref_slice %arg5[%mul3A_6] : memref<1000xf32, #tpu.memory_space<hbm>> -> memref<64xf32, #tpu.memory_space<hbm>>
    tpu.enqueue_dma source(%dma_start3A_8 : memref<64xf32, #tpu.memory_space<hbm>>) target(%arg14 : memref<64xf32, #tpu.memory_space<vmem>>) target_semaphore(%arg23 : memref<!tpu.dma_semaphore, #tpu.memory_space<semaphore_mem>>)
    "tpu.region"() ({
      %run_scoped3A = tpu.sem_alloc : memref<!tpu.dma_semaphore, #tpu.memory_space<semaphore_mem>>
      %dma_start3A_801 = arith.constant 0 : i32
      %dma_start3A_802 = tpu.memref_slice %arg7[%dma_start3A_801] : memref<256xi32, #tpu.memory_space<vmem>> -> memref<200xi32, #tpu.memory_space<vmem>>
      %dma_start3A_803 = arith.constant 0 : i32
      %dma_start3A_804 = tpu.memref_slice %arg7[%dma_start3A_803] : memref<256xi32, #tpu.memory_space<vmem>> -> memref<200xi32, #tpu.memory_space<vmem>>
      tpu.enqueue_dma source(%arg2 : memref<200xi32, #tpu.memory_space<hbm>>) target(%dma_start3A_804 : memref<200xi32, #tpu.memory_space<vmem>>) target_semaphore(%run_scoped3A : memref<!tpu.dma_semaphore, #tpu.memory_space<semaphore_mem>>)
      %dma_wait3A_805 = arith.constant 0 : i32
      %dma_wait3A_806 = tpu.memref_slice %arg7[%dma_wait3A_805] : memref<256xi32, #tpu.memory_space<vmem>> -> memref<200xi32, #tpu.memory_space<vmem>>
      %dma_wait3A_807 = arith.constant 0 : i32
      %dma_wait3A_808 = tpu.memref_slice %arg7[%dma_wait3A_807] : memref<256xi32, #tpu.memory_space<vmem>> -> memref<200xi32, #tpu.memory_space<vmem>>
      tpu.wait_dma2 semaphore(%run_scoped3A : memref<!tpu.dma_semaphore, #tpu.memory_space<semaphore_mem>>) src(%arg2 : memref<200xi32, #tpu.memory_space<hbm>>) dst(%dma_wait3A_808 : memref<200xi32, #tpu.memory_space<vmem>>)
      tpu.yield
    }) : () -> ()
    %mul3A_9 = arith.constant 16 : i32
    %mul3A_10 = vector.broadcast %mul3A_9 : i32 to vector<16xi32>
    %mul3A_11 = arith.muli %mul3A_10, %iota3A : vector<16xi32>
    %add3A = vector.broadcast %arg1 : i32 to vector<16xi32>
    %add3A_12 = arith.addi %add3A, %mul3A_11 : vector<16xi32>
    %gather3A = tpu.vector_load_idx %arg7[%add3A_12] : memref<256xi32, #tpu.memory_space<vmem>>[vector<16xi32>], vector<16xi32>,
    %broadcast_in_dim3A = arith.constant 0.000000e+00 : f32
    %broadcast_in_dim3A_13 = vector.broadcast %broadcast_in_dim3A : f32 to vector<16xf32>
    %broadcast_in_dim3A_14 = arith.constant 0.000000e+00 : f32
    %broadcast_in_dim3A_15 = vector.broadcast %broadcast_in_dim3A_14 : f32 to vector<16xf32>
    %broadcast_in_dim3A_16 = arith.constant 0.000000e+00 : f32
    %broadcast_in_dim3A_17 = vector.broadcast %broadcast_in_dim3A_16 : f32 to vector<16xf32>
    %broadcast_in_dim3A_18 = arith.constant 0.000000e+00 : f32
    %broadcast_in_dim3A_19 = vector.broadcast %broadcast_in_dim3A_18 : f32 to vector<16xf32>
    %slice3A = vector.extract_strided_slice %gather3A {offsets = [0], sizes = [1], strides = [1]} : vector<16xi32> to vector<1xi32>
    %squeeze3A = vector.extract %slice3A[0] : i32 from vector<1xi32>
    %shift_right_arithmetic3A_20 = arith.constant 7 : i32
    %shift_right_arithmetic3A_21 = arith.shrsi %squeeze3A, %shift_right_arithmetic3A_20 : i32
    %mul3A_22 = arith.constant 128 : i32
    %mul3A_23 = arith.muli %shift_right_arithmetic3A_21, %mul3A_22 : i32
    %multiple_of3A_24 = tpu.assume_multiple %mul3A_23, 128 : i32
    %dma_start3A_25 = arith.constant 0 : i32
    %dma_start3A_26 = arith.constant 0 : i32
    %dma_start3A_27 = arith.constant 0 : i32
    %dma_start3A_28 = tpu.memref_slice %arg8[%dma_start3A_25, %dma_start3A_26, %dma_start3A_27] : memref<6x64x128xf32, #tpu.memory_space<vmem>> -> memref<1x64x128xf32, #tpu.memory_space<vmem>>
    %dma_start3A_29 = tpu.memref_squeeze %dma_start3A_28 : memref<1x64x128xf32, #tpu.memory_space<vmem>> -> memref<64x128xf32, #tpu.memory_space<vmem>>
    %dma_start3A_30 = arith.constant 0 : i32
    %dma_start3A_31 = tpu.memref_slice %arg3[%dma_start3A_30, %multiple_of3A_24] : memref<64x1000000xf32, #tpu.memory_space<hbm>> -> memref<64x128xf32, #tpu.memory_space<hbm>>
    %dma_start3A_32 = arith.constant 0 : i32
    %dma_start3A_33 = arith.constant 0 : i32
    %dma_start3A_34 = tpu.memref_slice %arg8[%dma_start3A_25, %dma_start3A_32, %dma_start3A_33] : memref<6x64x128xf32, #tpu.memory_space<vmem>> -> memref<1x64x128xf32, #tpu.memory_space<vmem>>
    %dma_start3A_35 = tpu.memref_squeeze %dma_start3A_34 : memref<1x64x128xf32, #tpu.memory_space<vmem>> -> memref<64x128xf32, #tpu.memory_space<vmem>>
    %dma_start3A_36 = arith.constant 0 : i32
    %dma_start3A_37 = tpu.memref_slice %arg3[%dma_start3A_36, %multiple_of3A_24] : memref<64x1000000xf32, #tpu.memory_space<hbm>> -> memref<64x128xf32, #tpu.memory_space<hbm>>
    tpu.enqueue_dma source(%dma_start3A_37 : memref<64x128xf32, #tpu.memory_space<hbm>>) target(%dma_start3A_35 : memref<64x128xf32, #tpu.memory_space<vmem>>) target_semaphore(%arg16 : memref<!tpu.dma_semaphore, #tpu.memory_space<semaphore_mem>>)
    %slice3A_38 = vector.extract_strided_slice %gather3A {offsets = [1], sizes = [1], strides = [1]} : vector<16xi32> to vector<1xi32>
    %squeeze3A_39 = vector.extract %slice3A_38[0] : i32 from vector<1xi32>
    %shift_right_arithmetic3A_40 = arith.constant 7 : i32
    %shift_right_arithmetic3A_41 = arith.shrsi %squeeze3A_39, %shift_right_arithmetic3A_40 : i32
    %mul3A_42 = arith.constant 128 : i32
    %mul3A_43 = arith.muli %shift_right_arithmetic3A_41, %mul3A_42 : i32
    %multiple_of3A_44 = tpu.assume_multiple %mul3A_43, 128 : i32
    %dma_start3A_45 = arith.constant 1 : i32
    %dma_start3A_46 = arith.constant 0 : i32
    %dma_start3A_47 = arith.constant 0 : i32
    %dma_start3A_48 = tpu.memref_slice %arg8[%dma_start3A_45, %dma_start3A_46, %dma_start3A_47] : memref<6x64x128xf32, #tpu.memory_space<vmem>> -> memref<1x64x128xf32, #tpu.memory_space<vmem>>
    %dma_start3A_49 = tpu.memref_squeeze %dma_start3A_48 : memref<1x64x128xf32, #tpu.memory_space<vmem>> -> memref<64x128xf32, #tpu.memory_space<vmem>>
    %dma_start3A_50 = arith.constant 0 : i32
    %dma_start3A_51 = tpu.memref_slice %arg3[%dma_start3A_50, %multiple_of3A_44] : memref<64x1000000xf32, #tpu.memory_space<hbm>> -> memref<64x128xf32, #tpu.memory_space<hbm>>
    %dma_start3A_52 = arith.constant 0 : i32
    %dma_start3A_53 = arith.constant 0 : i32
    %dma_start3A_54 = tpu.memref_slice %arg8[%dma_start3A_45, %dma_start3A_52, %dma_start3A_53] : memref<6x64x128xf32, #tpu.memory_space<vmem>> -> memref<1x64x128xf32, #tpu.memory_space<vmem>>
    %dma_start3A_55 = tpu.memref_squeeze %dma_start3A_54 : memref<1x64x128xf32, #tpu.memory_space<vmem>> -> memref<64x128xf32, #tpu.memory_space<vmem>>
    %dma_start3A_56 = arith.constant 0 : i32
    %dma_start3A_57 = tpu.memref_slice %arg3[%dma_start3A_56, %multiple_of3A_44] : memref<64x1000000xf32, #tpu.memory_space<hbm>> -> memref<64x128xf32, #tpu.memory_space<hbm>>
    tpu.enqueue_dma source(%dma_start3A_57 : memref<64x128xf32, #tpu.memory_space<hbm>>) target(%dma_start3A_55 : memref<64x128xf32, #tpu.memory_space<vmem>>) target_semaphore(%arg17 : memref<!tpu.dma_semaphore, #tpu.memory_space<semaphore_mem>>)
    %slice3A_58 = vector.extract_strided_slice %gather3A {offsets = [2], sizes = [1], strides = [1]} : vector<16xi32> to vector<1xi32>
    %squeeze3A_59 = vector.extract %slice3A_58[0] : i32 from vector<1xi32>
    %shift_right_arithmetic3A_60 = arith.constant 7 : i32
    %shift_right_arithmetic3A_61 = arith.shrsi %squeeze3A_59, %shift_right_arithmetic3A_60 : i32
    %mul3A_62 = arith.constant 128 : i32
    %mul3A_63 = arith.muli %shift_right_arithmetic3A_61, %mul3A_62 : i32
    %multiple_of3A_64 = tpu.assume_multiple %mul3A_63, 128 : i32
    %dma_start3A_65 = arith.constant 2 : i32
    %dma_start3A_66 = arith.constant 0 : i32
    %dma_start3A_67 = arith.constant 0 : i32
    %dma_start3A_68 = tpu.memref_slice %arg8[%dma_start3A_65, %dma_start3A_66, %dma_start3A_67] : memref<6x64x128xf32, #tpu.memory_space<vmem>> -> memref<1x64x128xf32, #tpu.memory_space<vmem>>
    %dma_start3A_69 = tpu.memref_squeeze %dma_start3A_68 : memref<1x64x128xf32, #tpu.memory_space<vmem>> -> memref<64x128xf32, #tpu.memory_space<vmem>>
    %dma_start3A_70 = arith.constant 0 : i32
    %dma_start3A_71 = tpu.memref_slice %arg3[%dma_start3A_70, %multiple_of3A_64] : memref<64x1000000xf32, #tpu.memory_space<hbm>> -> memref<64x128xf32, #tpu.memory_space<hbm>>
    %dma_start3A_72 = arith.constant 0 : i32
    %dma_start3A_73 = arith.constant 0 : i32
    %dma_start3A_74 = tpu.memref_slice %arg8[%dma_start3A_65, %dma_start3A_72, %dma_start3A_73] : memref<6x64x128xf32, #tpu.memory_space<vmem>> -> memref<1x64x128xf32, #tpu.memory_space<vmem>>
    %dma_start3A_75 = tpu.memref_squeeze %dma_start3A_74 : memref<1x64x128xf32, #tpu.memory_space<vmem>> -> memref<64x128xf32, #tpu.memory_space<vmem>>
    %dma_start3A_76 = arith.constant 0 : i32
    %dma_start3A_77 = tpu.memref_slice %arg3[%dma_start3A_76, %multiple_of3A_64] : memref<64x1000000xf32, #tpu.memory_space<hbm>> -> memref<64x128xf32, #tpu.memory_space<hbm>>
    tpu.enqueue_dma source(%dma_start3A_77 : memref<64x128xf32, #tpu.memory_space<hbm>>) target(%dma_start3A_75 : memref<64x128xf32, #tpu.memory_space<vmem>>) target_semaphore(%arg18 : memref<!tpu.dma_semaphore, #tpu.memory_space<semaphore_mem>>)
    %slice3A_78 = vector.extract_strided_slice %gather3A {offsets = [3], sizes = [1], strides = [1]} : vector<16xi32> to vector<1xi32>
    %squeeze3A_79 = vector.extract %slice3A_78[0] : i32 from vector<1xi32>
    %shift_right_arithmetic3A_80 = arith.constant 7 : i32
    %shift_right_arithmetic3A_81 = arith.shrsi %squeeze3A_79, %shift_right_arithmetic3A_80 : i32
    %mul3A_82 = arith.constant 128 : i32
    %mul3A_83 = arith.muli %shift_right_arithmetic3A_81, %mul3A_82 : i32
    %multiple_of3A_84 = tpu.assume_multiple %mul3A_83, 128 : i32
    %dma_start3A_85 = arith.constant 3 : i32
    %dma_start3A_86 = arith.constant 0 : i32
    %dma_start3A_87 = arith.constant 0 : i32
    %dma_start3A_88 = tpu.memref_slice %arg8[%dma_start3A_85, %dma_start3A_86, %dma_start3A_87] : memref<6x64x128xf32, #tpu.memory_space<vmem>> -> memref<1x64x128xf32, #tpu.memory_space<vmem>>
    %dma_start3A_89 = tpu.memref_squeeze %dma_start3A_88 : memref<1x64x128xf32, #tpu.memory_space<vmem>> -> memref<64x128xf32, #tpu.memory_space<vmem>>
    %dma_start3A_90 = arith.constant 0 : i32
    %dma_start3A_91 = tpu.memref_slice %arg3[%dma_start3A_90, %multiple_of3A_84] : memref<64x1000000xf32, #tpu.memory_space<hbm>> -> memref<64x128xf32, #tpu.memory_space<hbm>>
    %dma_start3A_92 = arith.constant 0 : i32
    %dma_start3A_93 = arith.constant 0 : i32
    %dma_start3A_94 = tpu.memref_slice %arg8[%dma_start3A_85, %dma_start3A_92, %dma_start3A_93] : memref<6x64x128xf32, #tpu.memory_space<vmem>> -> memref<1x64x128xf32, #tpu.memory_space<vmem>>
    %dma_start3A_95 = tpu.memref_squeeze %dma_start3A_94 : memref<1x64x128xf32, #tpu.memory_space<vmem>> -> memref<64x128xf32, #tpu.memory_space<vmem>>
    %dma_start3A_96 = arith.constant 0 : i32
    %dma_start3A_97 = tpu.memref_slice %arg3[%dma_start3A_96, %multiple_of3A_84] : memref<64x1000000xf32, #tpu.memory_space<hbm>> -> memref<64x128xf32, #tpu.memory_space<hbm>>
    tpu.enqueue_dma source(%dma_start3A_97 : memref<64x128xf32, #tpu.memory_space<hbm>>) target(%dma_start3A_95 : memref<64x128xf32, #tpu.memory_space<vmem>>) target_semaphore(%arg19 : memref<!tpu.dma_semaphore, #tpu.memory_space<semaphore_mem>>)
    %slice3A_98 = vector.extract_strided_slice %gather3A {offsets = [4], sizes = [1], strides = [1]} : vector<16xi32> to vector<1xi32>
    %squeeze3A_99 = vector.extract %slice3A_98[0] : i32 from vector<1xi32>
    %shift_right_arithmetic3A_100 = arith.constant 7 : i32
    %shift_right_arithmetic3A_101 = arith.shrsi %squeeze3A_99, %shift_right_arithmetic3A_100 : i32
    %mul3A_102 = arith.constant 128 : i32
    %mul3A_103 = arith.muli %shift_right_arithmetic3A_101, %mul3A_102 : i32
    %multiple_of3A_104 = tpu.assume_multiple %mul3A_103, 128 : i32
    %dma_start3A_105 = arith.constant 4 : i32
    %dma_start3A_106 = arith.constant 0 : i32
    %dma_start3A_107 = arith.constant 0 : i32
    %dma_start3A_108 = tpu.memref_slice %arg8[%dma_start3A_105, %dma_start3A_106, %dma_start3A_107] : memref<6x64x128xf32, #tpu.memory_space<vmem>> -> memref<1x64x128xf32, #tpu.memory_space<vmem>>
    %dma_start3A_109 = tpu.memref_squeeze %dma_start3A_108 : memref<1x64x128xf32, #tpu.memory_space<vmem>> -> memref<64x128xf32, #tpu.memory_space<vmem>>
    %dma_start3A_110 = arith.constant 0 : i32
    %dma_start3A_111 = tpu.memref_slice %arg3[%dma_start3A_110, %multiple_of3A_104] : memref<64x1000000xf32, #tpu.memory_space<hbm>> -> memref<64x128xf32, #tpu.memory_space<hbm>>
    %dma_start3A_112 = arith.constant 0 : i32
    %dma_start3A_113 = arith.constant 0 : i32
    %dma_start3A_114 = tpu.memref_slice %arg8[%dma_start3A_105, %dma_start3A_112, %dma_start3A_113] : memref<6x64x128xf32, #tpu.memory_space<vmem>> -> memref<1x64x128xf32, #tpu.memory_space<vmem>>
    %dma_start3A_115 = tpu.memref_squeeze %dma_start3A_114 : memref<1x64x128xf32, #tpu.memory_space<vmem>> -> memref<64x128xf32, #tpu.memory_space<vmem>>
    %dma_start3A_116 = arith.constant 0 : i32
    %dma_start3A_117 = tpu.memref_slice %arg3[%dma_start3A_116, %multiple_of3A_104] : memref<64x1000000xf32, #tpu.memory_space<hbm>> -> memref<64x128xf32, #tpu.memory_space<hbm>>
    tpu.enqueue_dma source(%dma_start3A_117 : memref<64x128xf32, #tpu.memory_space<hbm>>) target(%dma_start3A_115 : memref<64x128xf32, #tpu.memory_space<vmem>>) target_semaphore(%arg20 : memref<!tpu.dma_semaphore, #tpu.memory_space<semaphore_mem>>)
    %slice3A_118 = vector.extract_strided_slice %gather3A {offsets = [5], sizes = [1], strides = [1]} : vector<16xi32> to vector<1xi32>
    %squeeze3A_119 = vector.extract %slice3A_118[0] : i32 from vector<1xi32>
    %shift_right_arithmetic3A_120 = arith.constant 7 : i32
    %shift_right_arithmetic3A_121 = arith.shrsi %squeeze3A_119, %shift_right_arithmetic3A_120 : i32
    %mul3A_122 = arith.constant 128 : i32
    %mul3A_123 = arith.muli %shift_right_arithmetic3A_121, %mul3A_122 : i32
    %multiple_of3A_124 = tpu.assume_multiple %mul3A_123, 128 : i32
    %dma_start3A_125 = arith.constant 5 : i32
    %dma_start3A_126 = arith.constant 0 : i32
    %dma_start3A_127 = arith.constant 0 : i32
    %dma_start3A_128 = tpu.memref_slice %arg8[%dma_start3A_125, %dma_start3A_126, %dma_start3A_127] : memref<6x64x128xf32, #tpu.memory_space<vmem>> -> memref<1x64x128xf32, #tpu.memory_space<vmem>>
    %dma_start3A_129 = tpu.memref_squeeze %dma_start3A_128 : memref<1x64x128xf32, #tpu.memory_space<vmem>> -> memref<64x128xf32, #tpu.memory_space<vmem>>
    %dma_start3A_130 = arith.constant 0 : i32
    %dma_start3A_131 = tpu.memref_slice %arg3[%dma_start3A_130, %multiple_of3A_124] : memref<64x1000000xf32, #tpu.memory_space<hbm>> -> memref<64x128xf32, #tpu.memory_space<hbm>>
    %dma_start3A_132 = arith.constant 0 : i32
    %dma_start3A_133 = arith.constant 0 : i32
    %dma_start3A_134 = tpu.memref_slice %arg8[%dma_start3A_125, %dma_start3A_132, %dma_start3A_133] : memref<6x64x128xf32, #tpu.memory_space<vmem>> -> memref<1x64x128xf32, #tpu.memory_space<vmem>>
    %dma_start3A_135 = tpu.memref_squeeze %dma_start3A_134 : memref<1x64x128xf32, #tpu.memory_space<vmem>> -> memref<64x128xf32, #tpu.memory_space<vmem>>
    %dma_start3A_136 = arith.constant 0 : i32
    %dma_start3A_137 = tpu.memref_slice %arg3[%dma_start3A_136, %multiple_of3A_124] : memref<64x1000000xf32, #tpu.memory_space<hbm>> -> memref<64x128xf32, #tpu.memory_space<hbm>>
    tpu.enqueue_dma source(%dma_start3A_137 : memref<64x128xf32, #tpu.memory_space<hbm>>) target(%dma_start3A_135 : memref<64x128xf32, #tpu.memory_space<vmem>>) target_semaphore(%arg21 : memref<!tpu.dma_semaphore, #tpu.memory_space<semaphore_mem>>)
    %dma_wait3A = arith.constant 0 : i32
    %dma_wait3A_138 = arith.constant 0 : i32
    %dma_wait3A_139 = arith.constant 0 : i32
    %dma_wait3A_140 = tpu.memref_slice %arg8[%dma_wait3A, %dma_wait3A_138, %dma_wait3A_139] : memref<6x64x128xf32, #tpu.memory_space<vmem>> -> memref<1x64x128xf32, #tpu.memory_space<vmem>>
    %dma_wait3A_141 = tpu.memref_squeeze %dma_wait3A_140 : memref<1x64x128xf32, #tpu.memory_space<vmem>> -> memref<64x128xf32, #tpu.memory_space<vmem>>
    %dma_wait3A_142 = arith.constant 0 : i32
    %dma_wait3A_143 = tpu.memref_slice %arg3[%dma_wait3A_142, %multiple_of3A_24] : memref<64x1000000xf32, #tpu.memory_space<hbm>> -> memref<64x128xf32, #tpu.memory_space<hbm>>
    %dma_wait3A_144 = arith.constant 0 : i32
    %dma_wait3A_145 = arith.constant 0 : i32
    %dma_wait3A_146 = tpu.memref_slice %arg8[%dma_wait3A, %dma_wait3A_144, %dma_wait3A_145] : memref<6x64x128xf32, #tpu.memory_space<vmem>> -> memref<1x64x128xf32, #tpu.memory_space<vmem>>
    %dma_wait3A_147 = tpu.memref_squeeze %dma_wait3A_146 : memref<1x64x128xf32, #tpu.memory_space<vmem>> -> memref<64x128xf32, #tpu.memory_space<vmem>>
    %dma_wait3A_148 = arith.constant 0 : i32
    %dma_wait3A_149 = tpu.memref_slice %arg3[%dma_wait3A_148, %multiple_of3A_24] : memref<64x1000000xf32, #tpu.memory_space<hbm>> -> memref<64x128xf32, #tpu.memory_space<hbm>>
    tpu.wait_dma2 semaphore(%arg16 : memref<!tpu.dma_semaphore, #tpu.memory_space<semaphore_mem>>) src(%dma_wait3A_149 : memref<64x128xf32, #tpu.memory_space<hbm>>) dst(%dma_wait3A_147 : memref<64x128xf32, #tpu.memory_space<vmem>>)
    %slice3A_150 = vector.extract_strided_slice %gather3A {offsets = [0], sizes = [1], strides = [1]} : vector<16xi32> to vector<1xi32>
    %squeeze3A_151 = vector.extract %slice3A_150[0] : i32 from vector<1xi32>
    %and3A = arith.constant 127 : i32
    %and3A_152 = arith.andi %squeeze3A_151, %and3A : i32
    %broadcast_in_dim3A_153 = vector.broadcast %and3A_152 : i32 to vector<16xi32>
    %broadcast_in_dim3A_154 = arith.constant 0 : i32
    %broadcast_in_dim3A_155 = vector.broadcast %broadcast_in_dim3A_154 : i32 to vector<16xi32>
    %add3A_156 = arith.constant 0 : i32
    %add3A_157 = vector.broadcast %add3A_156 : i32 to vector<16xi32>
    %add3A_158 = arith.addi %iota3A, %add3A_157 : vector<16xi32>
    %gather3A_159 = tpu.vector_load_idx %arg8[%broadcast_in_dim3A_155, %add3A_158, %broadcast_in_dim3A_153] : memref<6x64x128xf32, #tpu.memory_space<vmem>>[vector<16xi32>, vector<16xi32>, vector<16xi32>], vector<16xf32>,
    %add3A_160 = arith.addf %broadcast_in_dim3A_13, %gather3A_159 : vector<16xf32>
    %add3A_161 = arith.constant 16 : i32
    %add3A_162 = vector.broadcast %add3A_161 : i32 to vector<16xi32>
    %add3A_163 = arith.addi %iota3A, %add3A_162 : vector<16xi32>
    %gather3A_164 = tpu.vector_load_idx %arg8[%broadcast_in_dim3A_155, %add3A_163, %broadcast_in_dim3A_153] : memref<6x64x128xf32, #tpu.memory_space<vmem>>[vector<16xi32>, vector<16xi32>, vector<16xi32>], vector<16xf32>,
    %add3A_165 = arith.addf %broadcast_in_dim3A_15, %gather3A_164 : vector<16xf32>
    %add3A_166 = arith.constant 32 : i32
    %add3A_167 = vector.broadcast %add3A_166 : i32 to vector<16xi32>
    %add3A_168 = arith.addi %iota3A, %add3A_167 : vector<16xi32>
    %gather3A_169 = tpu.vector_load_idx %arg8[%broadcast_in_dim3A_155, %add3A_168, %broadcast_in_dim3A_153] : memref<6x64x128xf32, #tpu.memory_space<vmem>>[vector<16xi32>, vector<16xi32>, vector<16xi32>], vector<16xf32>,
    %add3A_170 = arith.addf %broadcast_in_dim3A_17, %gather3A_169 : vector<16xf32>
    %add3A_171 = arith.constant 48 : i32
    %add3A_172 = vector.broadcast %add3A_171 : i32 to vector<16xi32>
    %add3A_173 = arith.addi %iota3A, %add3A_172 : vector<16xi32>
    %gather3A_174 = tpu.vector_load_idx %arg8[%broadcast_in_dim3A_155, %add3A_173, %broadcast_in_dim3A_153] : memref<6x64x128xf32, #tpu.memory_space<vmem>>[vector<16xi32>, vector<16xi32>, vector<16xi32>], vector<16xf32>,
    %add3A_175 = arith.addf %broadcast_in_dim3A_19, %gather3A_174 : vector<16xf32>
    %slice3A_176 = vector.extract_strided_slice %gather3A {offsets = [6], sizes = [1], strides = [1]} : vector<16xi32> to vector<1xi32>
    %squeeze3A_177 = vector.extract %slice3A_176[0] : i32 from vector<1xi32>
    %shift_right_arithmetic3A_178 = arith.constant 7 : i32
    %shift_right_arithmetic3A_179 = arith.shrsi %squeeze3A_177, %shift_right_arithmetic3A_178 : i32
    %mul3A_180 = arith.constant 128 : i32
    %mul3A_181 = arith.muli %shift_right_arithmetic3A_179, %mul3A_180 : i32
    %multiple_of3A_182 = tpu.assume_multiple %mul3A_181, 128 : i32
    %dma_start3A_183 = arith.constant 0 : i32
    %dma_start3A_184 = arith.constant 0 : i32
    %dma_start3A_185 = arith.constant 0 : i32
    %dma_start3A_186 = tpu.memref_slice %arg8[%dma_start3A_183, %dma_start3A_184, %dma_start3A_185] : memref<6x64x128xf32, #tpu.memory_space<vmem>> -> memref<1x64x128xf32, #tpu.memory_space<vmem>>
    %dma_start3A_187 = tpu.memref_squeeze %dma_start3A_186 : memref<1x64x128xf32, #tpu.memory_space<vmem>> -> memref<64x128xf32, #tpu.memory_space<vmem>>
    %dma_start3A_188 = arith.constant 0 : i32
    %dma_start3A_189 = tpu.memref_slice %arg3[%dma_start3A_188, %multiple_of3A_182] : memref<64x1000000xf32, #tpu.memory_space<hbm>> -> memref<64x128xf32, #tpu.memory_space<hbm>>
    %dma_start3A_190 = arith.constant 0 : i32
    %dma_start3A_191 = arith.constant 0 : i32
    %dma_start3A_192 = tpu.memref_slice %arg8[%dma_start3A_183, %dma_start3A_190, %dma_start3A_191] : memref<6x64x128xf32, #tpu.memory_space<vmem>> -> memref<1x64x128xf32, #tpu.memory_space<vmem>>
    %dma_start3A_193 = tpu.memref_squeeze %dma_start3A_192 : memref<1x64x128xf32, #tpu.memory_space<vmem>> -> memref<64x128xf32, #tpu.memory_space<vmem>>
    %dma_start3A_194 = arith.constant 0 : i32
    %dma_start3A_195 = tpu.memref_slice %arg3[%dma_start3A_194, %multiple_of3A_182] : memref<64x1000000xf32, #tpu.memory_space<hbm>> -> memref<64x128xf32, #tpu.memory_space<hbm>>
    tpu.enqueue_dma source(%dma_start3A_195 : memref<64x128xf32, #tpu.memory_space<hbm>>) target(%dma_start3A_193 : memref<64x128xf32, #tpu.memory_space<vmem>>) target_semaphore(%arg16 : memref<!tpu.dma_semaphore, #tpu.memory_space<semaphore_mem>>)
    %dma_wait3A_196 = arith.constant 1 : i32
    %dma_wait3A_197 = arith.constant 0 : i32
    %dma_wait3A_198 = arith.constant 0 : i32
    %dma_wait3A_199 = tpu.memref_slice %arg8[%dma_wait3A_196, %dma_wait3A_197, %dma_wait3A_198] : memref<6x64x128xf32, #tpu.memory_space<vmem>> -> memref<1x64x128xf32, #tpu.memory_space<vmem>>
    %dma_wait3A_200 = tpu.memref_squeeze %dma_wait3A_199 : memref<1x64x128xf32, #tpu.memory_space<vmem>> -> memref<64x128xf32, #tpu.memory_space<vmem>>
    %dma_wait3A_201 = arith.constant 0 : i32
    %dma_wait3A_202 = tpu.memref_slice %arg3[%dma_wait3A_201, %multiple_of3A_44] : memref<64x1000000xf32, #tpu.memory_space<hbm>> -> memref<64x128xf32, #tpu.memory_space<hbm>>
    %dma_wait3A_203 = arith.constant 0 : i32
    %dma_wait3A_204 = arith.constant 0 : i32
    %dma_wait3A_205 = tpu.memref_slice %arg8[%dma_wait3A_196, %dma_wait3A_203, %dma_wait3A_204] : memref<6x64x128xf32, #tpu.memory_space<vmem>> -> memref<1x64x128xf32, #tpu.memory_space<vmem>>
    %dma_wait3A_206 = tpu.memref_squeeze %dma_wait3A_205 : memref<1x64x128xf32, #tpu.memory_space<vmem>> -> memref<64x128xf32, #tpu.memory_space<vmem>>
    %dma_wait3A_207 = arith.constant 0 : i32
    %dma_wait3A_208 = tpu.memref_slice %arg3[%dma_wait3A_207, %multiple_of3A_44] : memref<64x1000000xf32, #tpu.memory_space<hbm>> -> memref<64x128xf32, #tpu.memory_space<hbm>>
    tpu.wait_dma2 semaphore(%arg17 : memref<!tpu.dma_semaphore, #tpu.memory_space<semaphore_mem>>) src(%dma_wait3A_208 : memref<64x128xf32, #tpu.memory_space<hbm>>) dst(%dma_wait3A_206 : memref<64x128xf32, #tpu.memory_space<vmem>>)
    %slice3A_209 = vector.extract_strided_slice %gather3A {offsets = [1], sizes = [1], strides = [1]} : vector<16xi32> to vector<1xi32>
    %squeeze3A_210 = vector.extract %slice3A_209[0] : i32 from vector<1xi32>
    %and3A_211 = arith.constant 127 : i32
    %and3A_212 = arith.andi %squeeze3A_210, %and3A_211 : i32
    %broadcast_in_dim3A_213 = vector.broadcast %and3A_212 : i32 to vector<16xi32>
    %broadcast_in_dim3A_214 = arith.constant 1 : i32
    %broadcast_in_dim3A_215 = vector.broadcast %broadcast_in_dim3A_214 : i32 to vector<16xi32>
    %add3A_216 = arith.constant 0 : i32
    %add3A_217 = vector.broadcast %add3A_216 : i32 to vector<16xi32>
    %add3A_218 = arith.addi %iota3A, %add3A_217 : vector<16xi32>
    %gather3A_219 = tpu.vector_load_idx %arg8[%broadcast_in_dim3A_215, %add3A_218, %broadcast_in_dim3A_213] : memref<6x64x128xf32, #tpu.memory_space<vmem>>[vector<16xi32>, vector<16xi32>, vector<16xi32>], vector<16xf32>,
    %add3A_220 = arith.addf %add3A_160, %gather3A_219 : vector<16xf32>
    %add3A_221 = arith.constant 16 : i32
    %add3A_222 = vector.broadcast %add3A_221 : i32 to vector<16xi32>
    %add3A_223 = arith.addi %iota3A, %add3A_222 : vector<16xi32>
    %gather3A_224 = tpu.vector_load_idx %arg8[%broadcast_in_dim3A_215, %add3A_223, %broadcast_in_dim3A_213] : memref<6x64x128xf32, #tpu.memory_space<vmem>>[vector<16xi32>, vector<16xi32>, vector<16xi32>], vector<16xf32>,
    %add3A_225 = arith.addf %add3A_165, %gather3A_224 : vector<16xf32>
    %add3A_226 = arith.constant 32 : i32
    %add3A_227 = vector.broadcast %add3A_226 : i32 to vector<16xi32>
    %add3A_228 = arith.addi %iota3A, %add3A_227 : vector<16xi32>
    %gather3A_229 = tpu.vector_load_idx %arg8[%broadcast_in_dim3A_215, %add3A_228, %broadcast_in_dim3A_213] : memref<6x64x128xf32, #tpu.memory_space<vmem>>[vector<16xi32>, vector<16xi32>, vector<16xi32>], vector<16xf32>,
    %add3A_230 = arith.addf %add3A_170, %gather3A_229 : vector<16xf32>
    %add3A_231 = arith.constant 48 : i32
    %add3A_232 = vector.broadcast %add3A_231 : i32 to vector<16xi32>
    %add3A_233 = arith.addi %iota3A, %add3A_232 : vector<16xi32>
    %gather3A_234 = tpu.vector_load_idx %arg8[%broadcast_in_dim3A_215, %add3A_233, %broadcast_in_dim3A_213] : memref<6x64x128xf32, #tpu.memory_space<vmem>>[vector<16xi32>, vector<16xi32>, vector<16xi32>], vector<16xf32>,
    %add3A_235 = arith.addf %add3A_175, %gather3A_234 : vector<16xf32>
    %slice3A_236 = vector.extract_strided_slice %gather3A {offsets = [7], sizes = [1], strides = [1]} : vector<16xi32> to vector<1xi32>
    %squeeze3A_237 = vector.extract %slice3A_236[0] : i32 from vector<1xi32>
    %shift_right_arithmetic3A_238 = arith.constant 7 : i32
    %shift_right_arithmetic3A_239 = arith.shrsi %squeeze3A_237, %shift_right_arithmetic3A_238 : i32
    %mul3A_240 = arith.constant 128 : i32
    %mul3A_241 = arith.muli %shift_right_arithmetic3A_239, %mul3A_240 : i32
    %multiple_of3A_242 = tpu.assume_multiple %mul3A_241, 128 : i32
    %dma_start3A_243 = arith.constant 1 : i32
    %dma_start3A_244 = arith.constant 0 : i32
    %dma_start3A_245 = arith.constant 0 : i32
    %dma_start3A_246 = tpu.memref_slice %arg8[%dma_start3A_243, %dma_start3A_244, %dma_start3A_245] : memref<6x64x128xf32, #tpu.memory_space<vmem>> -> memref<1x64x128xf32, #tpu.memory_space<vmem>>
    %dma_start3A_247 = tpu.memref_squeeze %dma_start3A_246 : memref<1x64x128xf32, #tpu.memory_space<vmem>> -> memref<64x128xf32, #tpu.memory_space<vmem>>
    %dma_start3A_248 = arith.constant 0 : i32
    %dma_start3A_249 = tpu.memref_slice %arg3[%dma_start3A_248, %multiple_of3A_242] : memref<64x1000000xf32, #tpu.memory_space<hbm>> -> memref<64x128xf32, #tpu.memory_space<hbm>>
    %dma_start3A_250 = arith.constant 0 : i32
    %dma_start3A_251 = arith.constant 0 : i32
    %dma_start3A_252 = tpu.memref_slice %arg8[%dma_start3A_243, %dma_start3A_250, %dma_start3A_251] : memref<6x64x128xf32, #tpu.memory_space<vmem>> -> memref<1x64x128xf32, #tpu.memory_space<vmem>>
    %dma_start3A_253 = tpu.memref_squeeze %dma_start3A_252 : memref<1x64x128xf32, #tpu.memory_space<vmem>> -> memref<64x128xf32, #tpu.memory_space<vmem>>
    %dma_start3A_254 = arith.constant 0 : i32
    %dma_start3A_255 = tpu.memref_slice %arg3[%dma_start3A_254, %multiple_of3A_242] : memref<64x1000000xf32, #tpu.memory_space<hbm>> -> memref<64x128xf32, #tpu.memory_space<hbm>>
    tpu.enqueue_dma source(%dma_start3A_255 : memref<64x128xf32, #tpu.memory_space<hbm>>) target(%dma_start3A_253 : memref<64x128xf32, #tpu.memory_space<vmem>>) target_semaphore(%arg17 : memref<!tpu.dma_semaphore, #tpu.memory_space<semaphore_mem>>)
    %dma_wait3A_256 = arith.constant 2 : i32
    %dma_wait3A_257 = arith.constant 0 : i32
    %dma_wait3A_258 = arith.constant 0 : i32
    %dma_wait3A_259 = tpu.memref_slice %arg8[%dma_wait3A_256, %dma_wait3A_257, %dma_wait3A_258] : memref<6x64x128xf32, #tpu.memory_space<vmem>> -> memref<1x64x128xf32, #tpu.memory_space<vmem>>
    %dma_wait3A_260 = tpu.memref_squeeze %dma_wait3A_259 : memref<1x64x128xf32, #tpu.memory_space<vmem>> -> memref<64x128xf32, #tpu.memory_space<vmem>>
    %dma_wait3A_261 = arith.constant 0 : i32
    %dma_wait3A_262 = tpu.memref_slice %arg3[%dma_wait3A_261, %multiple_of3A_64] : memref<64x1000000xf32, #tpu.memory_space<hbm>> -> memref<64x128xf32, #tpu.memory_space<hbm>>
    %dma_wait3A_263 = arith.constant 0 : i32
    %dma_wait3A_264 = arith.constant 0 : i32
    %dma_wait3A_265 = tpu.memref_slice %arg8[%dma_wait3A_256, %dma_wait3A_263, %dma_wait3A_264] : memref<6x64x128xf32, #tpu.memory_space<vmem>> -> memref<1x64x128xf32, #tpu.memory_space<vmem>>
    %dma_wait3A_266 = tpu.memref_squeeze %dma_wait3A_265 : memref<1x64x128xf32, #tpu.memory_space<vmem>> -> memref<64x128xf32, #tpu.memory_space<vmem>>
    %dma_wait3A_267 = arith.constant 0 : i32
    %dma_wait3A_268 = tpu.memref_slice %arg3[%dma_wait3A_267, %multiple_of3A_64] : memref<64x1000000xf32, #tpu.memory_space<hbm>> -> memref<64x128xf32, #tpu.memory_space<hbm>>
    tpu.wait_dma2 semaphore(%arg18 : memref<!tpu.dma_semaphore, #tpu.memory_space<semaphore_mem>>) src(%dma_wait3A_268 : memref<64x128xf32, #tpu.memory_space<hbm>>) dst(%dma_wait3A_266 : memref<64x128xf32, #tpu.memory_space<vmem>>)
    %slice3A_269 = vector.extract_strided_slice %gather3A {offsets = [2], sizes = [1], strides = [1]} : vector<16xi32> to vector<1xi32>
    %squeeze3A_270 = vector.extract %slice3A_269[0] : i32 from vector<1xi32>
    %and3A_271 = arith.constant 127 : i32
    %and3A_272 = arith.andi %squeeze3A_270, %and3A_271 : i32
    %broadcast_in_dim3A_273 = vector.broadcast %and3A_272 : i32 to vector<16xi32>
    %broadcast_in_dim3A_274 = arith.constant 2 : i32
    %broadcast_in_dim3A_275 = vector.broadcast %broadcast_in_dim3A_274 : i32 to vector<16xi32>
    %add3A_276 = arith.constant 0 : i32
    %add3A_277 = vector.broadcast %add3A_276 : i32 to vector<16xi32>
    %add3A_278 = arith.addi %iota3A, %add3A_277 : vector<16xi32>
    %gather3A_279 = tpu.vector_load_idx %arg8[%broadcast_in_dim3A_275, %add3A_278, %broadcast_in_dim3A_273] : memref<6x64x128xf32, #tpu.memory_space<vmem>>[vector<16xi32>, vector<16xi32>, vector<16xi32>], vector<16xf32>,
    %add3A_280 = arith.addf %add3A_220, %gather3A_279 : vector<16xf32>
    %add3A_281 = arith.constant 16 : i32
    %add3A_282 = vector.broadcast %add3A_281 : i32 to vector<16xi32>
    %add3A_283 = arith.addi %iota3A, %add3A_282 : vector<16xi32>
    %gather3A_284 = tpu.vector_load_idx %arg8[%broadcast_in_dim3A_275, %add3A_283, %broadcast_in_dim3A_273] : memref<6x64x128xf32, #tpu.memory_space<vmem>>[vector<16xi32>, vector<16xi32>, vector<16xi32>], vector<16xf32>,
    %add3A_285 = arith.addf %add3A_225, %gather3A_284 : vector<16xf32>
    %add3A_286 = arith.constant 32 : i32
    %add3A_287 = vector.broadcast %add3A_286 : i32 to vector<16xi32>
    %add3A_288 = arith.addi %iota3A, %add3A_287 : vector<16xi32>
    %gather3A_289 = tpu.vector_load_idx %arg8[%broadcast_in_dim3A_275, %add3A_288, %broadcast_in_dim3A_273] : memref<6x64x128xf32, #tpu.memory_space<vmem>>[vector<16xi32>, vector<16xi32>, vector<16xi32>], vector<16xf32>,
    %add3A_290 = arith.addf %add3A_230, %gather3A_289 : vector<16xf32>
    %add3A_291 = arith.constant 48 : i32
    %add3A_292 = vector.broadcast %add3A_291 : i32 to vector<16xi32>
    %add3A_293 = arith.addi %iota3A, %add3A_292 : vector<16xi32>
    %gather3A_294 = tpu.vector_load_idx %arg8[%broadcast_in_dim3A_275, %add3A_293, %broadcast_in_dim3A_273] : memref<6x64x128xf32, #tpu.memory_space<vmem>>[vector<16xi32>, vector<16xi32>, vector<16xi32>], vector<16xf32>,
    %add3A_295 = arith.addf %add3A_235, %gather3A_294 : vector<16xf32>
    %slice3A_296 = vector.extract_strided_slice %gather3A {offsets = [8], sizes = [1], strides = [1]} : vector<16xi32> to vector<1xi32>
    %squeeze3A_297 = vector.extract %slice3A_296[0] : i32 from vector<1xi32>
    %shift_right_arithmetic3A_298 = arith.constant 7 : i32
    %shift_right_arithmetic3A_299 = arith.shrsi %squeeze3A_297, %shift_right_arithmetic3A_298 : i32
    %mul3A_300 = arith.constant 128 : i32
    %mul3A_301 = arith.muli %shift_right_arithmetic3A_299, %mul3A_300 : i32
    %multiple_of3A_302 = tpu.assume_multiple %mul3A_301, 128 : i32
    %dma_start3A_303 = arith.constant 2 : i32
    %dma_start3A_304 = arith.constant 0 : i32
    %dma_start3A_305 = arith.constant 0 : i32
    %dma_start3A_306 = tpu.memref_slice %arg8[%dma_start3A_303, %dma_start3A_304, %dma_start3A_305] : memref<6x64x128xf32, #tpu.memory_space<vmem>> -> memref<1x64x128xf32, #tpu.memory_space<vmem>>
    %dma_start3A_307 = tpu.memref_squeeze %dma_start3A_306 : memref<1x64x128xf32, #tpu.memory_space<vmem>> -> memref<64x128xf32, #tpu.memory_space<vmem>>
    %dma_start3A_308 = arith.constant 0 : i32
    %dma_start3A_309 = tpu.memref_slice %arg3[%dma_start3A_308, %multiple_of3A_302] : memref<64x1000000xf32, #tpu.memory_space<hbm>> -> memref<64x128xf32, #tpu.memory_space<hbm>>
    %dma_start3A_310 = arith.constant 0 : i32
    %dma_start3A_311 = arith.constant 0 : i32
    %dma_start3A_312 = tpu.memref_slice %arg8[%dma_start3A_303, %dma_start3A_310, %dma_start3A_311] : memref<6x64x128xf32, #tpu.memory_space<vmem>> -> memref<1x64x128xf32, #tpu.memory_space<vmem>>
    %dma_start3A_313 = tpu.memref_squeeze %dma_start3A_312 : memref<1x64x128xf32, #tpu.memory_space<vmem>> -> memref<64x128xf32, #tpu.memory_space<vmem>>
    %dma_start3A_314 = arith.constant 0 : i32
    %dma_start3A_315 = tpu.memref_slice %arg3[%dma_start3A_314, %multiple_of3A_302] : memref<64x1000000xf32, #tpu.memory_space<hbm>> -> memref<64x128xf32, #tpu.memory_space<hbm>>
    tpu.enqueue_dma source(%dma_start3A_315 : memref<64x128xf32, #tpu.memory_space<hbm>>) target(%dma_start3A_313 : memref<64x128xf32, #tpu.memory_space<vmem>>) target_semaphore(%arg18 : memref<!tpu.dma_semaphore, #tpu.memory_space<semaphore_mem>>)
    %dma_wait3A_316 = arith.constant 3 : i32
    %dma_wait3A_317 = arith.constant 0 : i32
    %dma_wait3A_318 = arith.constant 0 : i32
    %dma_wait3A_319 = tpu.memref_slice %arg8[%dma_wait3A_316, %dma_wait3A_317, %dma_wait3A_318] : memref<6x64x128xf32, #tpu.memory_space<vmem>> -> memref<1x64x128xf32, #tpu.memory_space<vmem>>
    %dma_wait3A_320 = tpu.memref_squeeze %dma_wait3A_319 : memref<1x64x128xf32, #tpu.memory_space<vmem>> -> memref<64x128xf32, #tpu.memory_space<vmem>>
    %dma_wait3A_321 = arith.constant 0 : i32
    %dma_wait3A_322 = tpu.memref_slice %arg3[%dma_wait3A_321, %multiple_of3A_84] : memref<64x1000000xf32, #tpu.memory_space<hbm>> -> memref<64x128xf32, #tpu.memory_space<hbm>>
    %dma_wait3A_323 = arith.constant 0 : i32
    %dma_wait3A_324 = arith.constant 0 : i32
    %dma_wait3A_325 = tpu.memref_slice %arg8[%dma_wait3A_316, %dma_wait3A_323, %dma_wait3A_324] : memref<6x64x128xf32, #tpu.memory_space<vmem>> -> memref<1x64x128xf32, #tpu.memory_space<vmem>>
    %dma_wait3A_326 = tpu.memref_squeeze %dma_wait3A_325 : memref<1x64x128xf32, #tpu.memory_space<vmem>> -> memref<64x128xf32, #tpu.memory_space<vmem>>
    %dma_wait3A_327 = arith.constant 0 : i32
    %dma_wait3A_328 = tpu.memref_slice %arg3[%dma_wait3A_327, %multiple_of3A_84] : memref<64x1000000xf32, #tpu.memory_space<hbm>> -> memref<64x128xf32, #tpu.memory_space<hbm>>
    tpu.wait_dma2 semaphore(%arg19 : memref<!tpu.dma_semaphore, #tpu.memory_space<semaphore_mem>>) src(%dma_wait3A_328 : memref<64x128xf32, #tpu.memory_space<hbm>>) dst(%dma_wait3A_326 : memref<64x128xf32, #tpu.memory_space<vmem>>)
    %slice3A_329 = vector.extract_strided_slice %gather3A {offsets = [3], sizes = [1], strides = [1]} : vector<16xi32> to vector<1xi32>
    %squeeze3A_330 = vector.extract %slice3A_329[0] : i32 from vector<1xi32>
    %and3A_331 = arith.constant 127 : i32
    %and3A_332 = arith.andi %squeeze3A_330, %and3A_331 : i32
    %broadcast_in_dim3A_333 = vector.broadcast %and3A_332 : i32 to vector<16xi32>
    %broadcast_in_dim3A_334 = arith.constant 3 : i32
    %broadcast_in_dim3A_335 = vector.broadcast %broadcast_in_dim3A_334 : i32 to vector<16xi32>
    %add3A_336 = arith.constant 0 : i32
    %add3A_337 = vector.broadcast %add3A_336 : i32 to vector<16xi32>
    %add3A_338 = arith.addi %iota3A, %add3A_337 : vector<16xi32>
    %gather3A_339 = tpu.vector_load_idx %arg8[%broadcast_in_dim3A_335, %add3A_338, %broadcast_in_dim3A_333] : memref<6x64x128xf32, #tpu.memory_space<vmem>>[vector<16xi32>, vector<16xi32>, vector<16xi32>], vector<16xf32>,
    %add3A_340 = arith.addf %add3A_280, %gather3A_339 : vector<16xf32>
    %add3A_341 = arith.constant 16 : i32
    %add3A_342 = vector.broadcast %add3A_341 : i32 to vector<16xi32>
    %add3A_343 = arith.addi %iota3A, %add3A_342 : vector<16xi32>
    %gather3A_344 = tpu.vector_load_idx %arg8[%broadcast_in_dim3A_335, %add3A_343, %broadcast_in_dim3A_333] : memref<6x64x128xf32, #tpu.memory_space<vmem>>[vector<16xi32>, vector<16xi32>, vector<16xi32>], vector<16xf32>,
    %add3A_345 = arith.addf %add3A_285, %gather3A_344 : vector<16xf32>
    %add3A_346 = arith.constant 32 : i32
    %add3A_347 = vector.broadcast %add3A_346 : i32 to vector<16xi32>
    %add3A_348 = arith.addi %iota3A, %add3A_347 : vector<16xi32>
    %gather3A_349 = tpu.vector_load_idx %arg8[%broadcast_in_dim3A_335, %add3A_348, %broadcast_in_dim3A_333] : memref<6x64x128xf32, #tpu.memory_space<vmem>>[vector<16xi32>, vector<16xi32>, vector<16xi32>], vector<16xf32>,
    %add3A_350 = arith.addf %add3A_290, %gather3A_349 : vector<16xf32>
    %add3A_351 = arith.constant 48 : i32
    %add3A_352 = vector.broadcast %add3A_351 : i32 to vector<16xi32>
    %add3A_353 = arith.addi %iota3A, %add3A_352 : vector<16xi32>
    %gather3A_354 = tpu.vector_load_idx %arg8[%broadcast_in_dim3A_335, %add3A_353, %broadcast_in_dim3A_333] : memref<6x64x128xf32, #tpu.memory_space<vmem>>[vector<16xi32>, vector<16xi32>, vector<16xi32>], vector<16xf32>,
    %add3A_355 = arith.addf %add3A_295, %gather3A_354 : vector<16xf32>
    %slice3A_356 = vector.extract_strided_slice %gather3A {offsets = [9], sizes = [1], strides = [1]} : vector<16xi32> to vector<1xi32>
    %squeeze3A_357 = vector.extract %slice3A_356[0] : i32 from vector<1xi32>
    %shift_right_arithmetic3A_358 = arith.constant 7 : i32
    %shift_right_arithmetic3A_359 = arith.shrsi %squeeze3A_357, %shift_right_arithmetic3A_358 : i32
    %mul3A_360 = arith.constant 128 : i32
    %mul3A_361 = arith.muli %shift_right_arithmetic3A_359, %mul3A_360 : i32
    %multiple_of3A_362 = tpu.assume_multiple %mul3A_361, 128 : i32
    %dma_start3A_363 = arith.constant 3 : i32
    %dma_start3A_364 = arith.constant 0 : i32
    %dma_start3A_365 = arith.constant 0 : i32
    %dma_start3A_366 = tpu.memref_slice %arg8[%dma_start3A_363, %dma_start3A_364, %dma_start3A_365] : memref<6x64x128xf32, #tpu.memory_space<vmem>> -> memref<1x64x128xf32, #tpu.memory_space<vmem>>
    %dma_start3A_367 = tpu.memref_squeeze %dma_start3A_366 : memref<1x64x128xf32, #tpu.memory_space<vmem>> -> memref<64x128xf32, #tpu.memory_space<vmem>>
    %dma_start3A_368 = arith.constant 0 : i32
    %dma_start3A_369 = tpu.memref_slice %arg3[%dma_start3A_368, %multiple_of3A_362] : memref<64x1000000xf32, #tpu.memory_space<hbm>> -> memref<64x128xf32, #tpu.memory_space<hbm>>
    %dma_start3A_370 = arith.constant 0 : i32
    %dma_start3A_371 = arith.constant 0 : i32
    %dma_start3A_372 = tpu.memref_slice %arg8[%dma_start3A_363, %dma_start3A_370, %dma_start3A_371] : memref<6x64x128xf32, #tpu.memory_space<vmem>> -> memref<1x64x128xf32, #tpu.memory_space<vmem>>
    %dma_start3A_373 = tpu.memref_squeeze %dma_start3A_372 : memref<1x64x128xf32, #tpu.memory_space<vmem>> -> memref<64x128xf32, #tpu.memory_space<vmem>>
    %dma_start3A_374 = arith.constant 0 : i32
    %dma_start3A_375 = tpu.memref_slice %arg3[%dma_start3A_374, %multiple_of3A_362] : memref<64x1000000xf32, #tpu.memory_space<hbm>> -> memref<64x128xf32, #tpu.memory_space<hbm>>
    tpu.enqueue_dma source(%dma_start3A_375 : memref<64x128xf32, #tpu.memory_space<hbm>>) target(%dma_start3A_373 : memref<64x128xf32, #tpu.memory_space<vmem>>) target_semaphore(%arg19 : memref<!tpu.dma_semaphore, #tpu.memory_space<semaphore_mem>>)
    %dma_wait3A_376 = arith.constant 4 : i32
    %dma_wait3A_377 = arith.constant 0 : i32
    %dma_wait3A_378 = arith.constant 0 : i32
    %dma_wait3A_379 = tpu.memref_slice %arg8[%dma_wait3A_376, %dma_wait3A_377, %dma_wait3A_378] : memref<6x64x128xf32, #tpu.memory_space<vmem>> -> memref<1x64x128xf32, #tpu.memory_space<vmem>>
    %dma_wait3A_380 = tpu.memref_squeeze %dma_wait3A_379 : memref<1x64x128xf32, #tpu.memory_space<vmem>> -> memref<64x128xf32, #tpu.memory_space<vmem>>
    %dma_wait3A_381 = arith.constant 0 : i32
    %dma_wait3A_382 = tpu.memref_slice %arg3[%dma_wait3A_381, %multiple_of3A_104] : memref<64x1000000xf32, #tpu.memory_space<hbm>> -> memref<64x128xf32, #tpu.memory_space<hbm>>
    %dma_wait3A_383 = arith.constant 0 : i32
    %dma_wait3A_384 = arith.constant 0 : i32
    %dma_wait3A_385 = tpu.memref_slice %arg8[%dma_wait3A_376, %dma_wait3A_383, %dma_wait3A_384] : memref<6x64x128xf32, #tpu.memory_space<vmem>> -> memref<1x64x128xf32, #tpu.memory_space<vmem>>
    %dma_wait3A_386 = tpu.memref_squeeze %dma_wait3A_385 : memref<1x64x128xf32, #tpu.memory_space<vmem>> -> memref<64x128xf32, #tpu.memory_space<vmem>>
    %dma_wait3A_387 = arith.constant 0 : i32
    %dma_wait3A_388 = tpu.memref_slice %arg3[%dma_wait3A_387, %multiple_of3A_104] : memref<64x1000000xf32, #tpu.memory_space<hbm>> -> memref<64x128xf32, #tpu.memory_space<hbm>>
    tpu.wait_dma2 semaphore(%arg20 : memref<!tpu.dma_semaphore, #tpu.memory_space<semaphore_mem>>) src(%dma_wait3A_388 : memref<64x128xf32, #tpu.memory_space<hbm>>) dst(%dma_wait3A_386 : memref<64x128xf32, #tpu.memory_space<vmem>>)
    %slice3A_389 = vector.extract_strided_slice %gather3A {offsets = [4], sizes = [1], strides = [1]} : vector<16xi32> to vector<1xi32>
    %squeeze3A_390 = vector.extract %slice3A_389[0] : i32 from vector<1xi32>
    %and3A_391 = arith.constant 127 : i32
    %and3A_392 = arith.andi %squeeze3A_390, %and3A_391 : i32
    %broadcast_in_dim3A_393 = vector.broadcast %and3A_392 : i32 to vector<16xi32>
    %broadcast_in_dim3A_394 = arith.constant 4 : i32
    %broadcast_in_dim3A_395 = vector.broadcast %broadcast_in_dim3A_394 : i32 to vector<16xi32>
    %add3A_396 = arith.constant 0 : i32
    %add3A_397 = vector.broadcast %add3A_396 : i32 to vector<16xi32>
    %add3A_398 = arith.addi %iota3A, %add3A_397 : vector<16xi32>
    %gather3A_399 = tpu.vector_load_idx %arg8[%broadcast_in_dim3A_395, %add3A_398, %broadcast_in_dim3A_393] : memref<6x64x128xf32, #tpu.memory_space<vmem>>[vector<16xi32>, vector<16xi32>, vector<16xi32>], vector<16xf32>,
    %add3A_400 = arith.addf %add3A_340, %gather3A_399 : vector<16xf32>
    %add3A_401 = arith.constant 16 : i32
    %add3A_402 = vector.broadcast %add3A_401 : i32 to vector<16xi32>
    %add3A_403 = arith.addi %iota3A, %add3A_402 : vector<16xi32>
    %gather3A_404 = tpu.vector_load_idx %arg8[%broadcast_in_dim3A_395, %add3A_403, %broadcast_in_dim3A_393] : memref<6x64x128xf32, #tpu.memory_space<vmem>>[vector<16xi32>, vector<16xi32>, vector<16xi32>], vector<16xf32>,
    %add3A_405 = arith.addf %add3A_345, %gather3A_404 : vector<16xf32>
    %add3A_406 = arith.constant 32 : i32
    %add3A_407 = vector.broadcast %add3A_406 : i32 to vector<16xi32>
    %add3A_408 = arith.addi %iota3A, %add3A_407 : vector<16xi32>
    %gather3A_409 = tpu.vector_load_idx %arg8[%broadcast_in_dim3A_395, %add3A_408, %broadcast_in_dim3A_393] : memref<6x64x128xf32, #tpu.memory_space<vmem>>[vector<16xi32>, vector<16xi32>, vector<16xi32>], vector<16xf32>,
    %add3A_410 = arith.addf %add3A_350, %gather3A_409 : vector<16xf32>
    %add3A_411 = arith.constant 48 : i32
    %add3A_412 = vector.broadcast %add3A_411 : i32 to vector<16xi32>
    %add3A_413 = arith.addi %iota3A, %add3A_412 : vector<16xi32>
    %gather3A_414 = tpu.vector_load_idx %arg8[%broadcast_in_dim3A_395, %add3A_413, %broadcast_in_dim3A_393] : memref<6x64x128xf32, #tpu.memory_space<vmem>>[vector<16xi32>, vector<16xi32>, vector<16xi32>], vector<16xf32>,
    %add3A_415 = arith.addf %add3A_355, %gather3A_414 : vector<16xf32>
    %slice3A_416 = vector.extract_strided_slice %gather3A {offsets = [10], sizes = [1], strides = [1]} : vector<16xi32> to vector<1xi32>
    %squeeze3A_417 = vector.extract %slice3A_416[0] : i32 from vector<1xi32>
    %shift_right_arithmetic3A_418 = arith.constant 7 : i32
    %shift_right_arithmetic3A_419 = arith.shrsi %squeeze3A_417, %shift_right_arithmetic3A_418 : i32
    %mul3A_420 = arith.constant 128 : i32
    %mul3A_421 = arith.muli %shift_right_arithmetic3A_419, %mul3A_420 : i32
    %multiple_of3A_422 = tpu.assume_multiple %mul3A_421, 128 : i32
    %dma_start3A_423 = arith.constant 4 : i32
    %dma_start3A_424 = arith.constant 0 : i32
    %dma_start3A_425 = arith.constant 0 : i32
    %dma_start3A_426 = tpu.memref_slice %arg8[%dma_start3A_423, %dma_start3A_424, %dma_start3A_425] : memref<6x64x128xf32, #tpu.memory_space<vmem>> -> memref<1x64x128xf32, #tpu.memory_space<vmem>>
    %dma_start3A_427 = tpu.memref_squeeze %dma_start3A_426 : memref<1x64x128xf32, #tpu.memory_space<vmem>> -> memref<64x128xf32, #tpu.memory_space<vmem>>
    %dma_start3A_428 = arith.constant 0 : i32
    %dma_start3A_429 = tpu.memref_slice %arg3[%dma_start3A_428, %multiple_of3A_422] : memref<64x1000000xf32, #tpu.memory_space<hbm>> -> memref<64x128xf32, #tpu.memory_space<hbm>>
    %dma_start3A_430 = arith.constant 0 : i32
    %dma_start3A_431 = arith.constant 0 : i32
    %dma_start3A_432 = tpu.memref_slice %arg8[%dma_start3A_423, %dma_start3A_430, %dma_start3A_431] : memref<6x64x128xf32, #tpu.memory_space<vmem>> -> memref<1x64x128xf32, #tpu.memory_space<vmem>>
    %dma_start3A_433 = tpu.memref_squeeze %dma_start3A_432 : memref<1x64x128xf32, #tpu.memory_space<vmem>> -> memref<64x128xf32, #tpu.memory_space<vmem>>
    %dma_start3A_434 = arith.constant 0 : i32
    %dma_start3A_435 = tpu.memref_slice %arg3[%dma_start3A_434, %multiple_of3A_422] : memref<64x1000000xf32, #tpu.memory_space<hbm>> -> memref<64x128xf32, #tpu.memory_space<hbm>>
    tpu.enqueue_dma source(%dma_start3A_435 : memref<64x128xf32, #tpu.memory_space<hbm>>) target(%dma_start3A_433 : memref<64x128xf32, #tpu.memory_space<vmem>>) target_semaphore(%arg20 : memref<!tpu.dma_semaphore, #tpu.memory_space<semaphore_mem>>)
    %dma_wait3A_436 = arith.constant 5 : i32
    %dma_wait3A_437 = arith.constant 0 : i32
    %dma_wait3A_438 = arith.constant 0 : i32
    %dma_wait3A_439 = tpu.memref_slice %arg8[%dma_wait3A_436, %dma_wait3A_437, %dma_wait3A_438] : memref<6x64x128xf32, #tpu.memory_space<vmem>> -> memref<1x64x128xf32, #tpu.memory_space<vmem>>
    %dma_wait3A_440 = tpu.memref_squeeze %dma_wait3A_439 : memref<1x64x128xf32, #tpu.memory_space<vmem>> -> memref<64x128xf32, #tpu.memory_space<vmem>>
    %dma_wait3A_441 = arith.constant 0 : i32
    %dma_wait3A_442 = tpu.memref_slice %arg3[%dma_wait3A_441, %multiple_of3A_124] : memref<64x1000000xf32, #tpu.memory_space<hbm>> -> memref<64x128xf32, #tpu.memory_space<hbm>>
    %dma_wait3A_443 = arith.constant 0 : i32
    %dma_wait3A_444 = arith.constant 0 : i32
    %dma_wait3A_445 = tpu.memref_slice %arg8[%dma_wait3A_436, %dma_wait3A_443, %dma_wait3A_444] : memref<6x64x128xf32, #tpu.memory_space<vmem>> -> memref<1x64x128xf32, #tpu.memory_space<vmem>>
    %dma_wait3A_446 = tpu.memref_squeeze %dma_wait3A_445 : memref<1x64x128xf32, #tpu.memory_space<vmem>> -> memref<64x128xf32, #tpu.memory_space<vmem>>
    %dma_wait3A_447 = arith.constant 0 : i32
    %dma_wait3A_448 = tpu.memref_slice %arg3[%dma_wait3A_447, %multiple_of3A_124] : memref<64x1000000xf32, #tpu.memory_space<hbm>> -> memref<64x128xf32, #tpu.memory_space<hbm>>
    tpu.wait_dma2 semaphore(%arg21 : memref<!tpu.dma_semaphore, #tpu.memory_space<semaphore_mem>>) src(%dma_wait3A_448 : memref<64x128xf32, #tpu.memory_space<hbm>>) dst(%dma_wait3A_446 : memref<64x128xf32, #tpu.memory_space<vmem>>)
    %slice3A_449 = vector.extract_strided_slice %gather3A {offsets = [5], sizes = [1], strides = [1]} : vector<16xi32> to vector<1xi32>
    %squeeze3A_450 = vector.extract %slice3A_449[0] : i32 from vector<1xi32>
    %and3A_451 = arith.constant 127 : i32
    %and3A_452 = arith.andi %squeeze3A_450, %and3A_451 : i32
    %broadcast_in_dim3A_453 = vector.broadcast %and3A_452 : i32 to vector<16xi32>
    %broadcast_in_dim3A_454 = arith.constant 5 : i32
    %broadcast_in_dim3A_455 = vector.broadcast %broadcast_in_dim3A_454 : i32 to vector<16xi32>
    %add3A_456 = arith.constant 0 : i32
    %add3A_457 = vector.broadcast %add3A_456 : i32 to vector<16xi32>
    %add3A_458 = arith.addi %iota3A, %add3A_457 : vector<16xi32>
    %gather3A_459 = tpu.vector_load_idx %arg8[%broadcast_in_dim3A_455, %add3A_458, %broadcast_in_dim3A_453] : memref<6x64x128xf32, #tpu.memory_space<vmem>>[vector<16xi32>, vector<16xi32>, vector<16xi32>], vector<16xf32>,
    %add3A_460 = arith.addf %add3A_400, %gather3A_459 : vector<16xf32>
    %add3A_461 = arith.constant 16 : i32
    %add3A_462 = vector.broadcast %add3A_461 : i32 to vector<16xi32>
    %add3A_463 = arith.addi %iota3A, %add3A_462 : vector<16xi32>
    %gather3A_464 = tpu.vector_load_idx %arg8[%broadcast_in_dim3A_455, %add3A_463, %broadcast_in_dim3A_453] : memref<6x64x128xf32, #tpu.memory_space<vmem>>[vector<16xi32>, vector<16xi32>, vector<16xi32>], vector<16xf32>,
    %add3A_465 = arith.addf %add3A_405, %gather3A_464 : vector<16xf32>
    %add3A_466 = arith.constant 32 : i32
    %add3A_467 = vector.broadcast %add3A_466 : i32 to vector<16xi32>
    %add3A_468 = arith.addi %iota3A, %add3A_467 : vector<16xi32>
    %gather3A_469 = tpu.vector_load_idx %arg8[%broadcast_in_dim3A_455, %add3A_468, %broadcast_in_dim3A_453] : memref<6x64x128xf32, #tpu.memory_space<vmem>>[vector<16xi32>, vector<16xi32>, vector<16xi32>], vector<16xf32>,
    %add3A_470 = arith.addf %add3A_410, %gather3A_469 : vector<16xf32>
    %add3A_471 = arith.constant 48 : i32
    %add3A_472 = vector.broadcast %add3A_471 : i32 to vector<16xi32>
    %add3A_473 = arith.addi %iota3A, %add3A_472 : vector<16xi32>
    %gather3A_474 = tpu.vector_load_idx %arg8[%broadcast_in_dim3A_455, %add3A_473, %broadcast_in_dim3A_453] : memref<6x64x128xf32, #tpu.memory_space<vmem>>[vector<16xi32>, vector<16xi32>, vector<16xi32>], vector<16xf32>,
    %add3A_475 = arith.addf %add3A_415, %gather3A_474 : vector<16xf32>
    %slice3A_476 = vector.extract_strided_slice %gather3A {offsets = [11], sizes = [1], strides = [1]} : vector<16xi32> to vector<1xi32>
    %squeeze3A_477 = vector.extract %slice3A_476[0] : i32 from vector<1xi32>
    %shift_right_arithmetic3A_478 = arith.constant 7 : i32
    %shift_right_arithmetic3A_479 = arith.shrsi %squeeze3A_477, %shift_right_arithmetic3A_478 : i32
    %mul3A_480 = arith.constant 128 : i32
    %mul3A_481 = arith.muli %shift_right_arithmetic3A_479, %mul3A_480 : i32
    %multiple_of3A_482 = tpu.assume_multiple %mul3A_481, 128 : i32
    %dma_start3A_483 = arith.constant 5 : i32
    %dma_start3A_484 = arith.constant 0 : i32
    %dma_start3A_485 = arith.constant 0 : i32
    %dma_start3A_486 = tpu.memref_slice %arg8[%dma_start3A_483, %dma_start3A_484, %dma_start3A_485] : memref<6x64x128xf32, #tpu.memory_space<vmem>> -> memref<1x64x128xf32, #tpu.memory_space<vmem>>
    %dma_start3A_487 = tpu.memref_squeeze %dma_start3A_486 : memref<1x64x128xf32, #tpu.memory_space<vmem>> -> memref<64x128xf32, #tpu.memory_space<vmem>>
    %dma_start3A_488 = arith.constant 0 : i32
    %dma_start3A_489 = tpu.memref_slice %arg3[%dma_start3A_488, %multiple_of3A_482] : memref<64x1000000xf32, #tpu.memory_space<hbm>> -> memref<64x128xf32, #tpu.memory_space<hbm>>
    %dma_start3A_490 = arith.constant 0 : i32
    %dma_start3A_491 = arith.constant 0 : i32
    %dma_start3A_492 = tpu.memref_slice %arg8[%dma_start3A_483, %dma_start3A_490, %dma_start3A_491] : memref<6x64x128xf32, #tpu.memory_space<vmem>> -> memref<1x64x128xf32, #tpu.memory_space<vmem>>
    %dma_start3A_493 = tpu.memref_squeeze %dma_start3A_492 : memref<1x64x128xf32, #tpu.memory_space<vmem>> -> memref<64x128xf32, #tpu.memory_space<vmem>>
    %dma_start3A_494 = arith.constant 0 : i32
    %dma_start3A_495 = tpu.memref_slice %arg3[%dma_start3A_494, %multiple_of3A_482] : memref<64x1000000xf32, #tpu.memory_space<hbm>> -> memref<64x128xf32, #tpu.memory_space<hbm>>
    tpu.enqueue_dma source(%dma_start3A_495 : memref<64x128xf32, #tpu.memory_space<hbm>>) target(%dma_start3A_493 : memref<64x128xf32, #tpu.memory_space<vmem>>) target_semaphore(%arg21 : memref<!tpu.dma_semaphore, #tpu.memory_space<semaphore_mem>>)
    %dma_wait3A_496 = arith.constant 0 : i32
    %dma_wait3A_497 = arith.constant 0 : i32
    %dma_wait3A_498 = arith.constant 0 : i32
    %dma_wait3A_499 = tpu.memref_slice %arg8[%dma_wait3A_496, %dma_wait3A_497, %dma_wait3A_498] : memref<6x64x128xf32, #tpu.memory_space<vmem>> -> memref<1x64x128xf32, #tpu.memory_space<vmem>>
    %dma_wait3A_500 = tpu.memref_squeeze %dma_wait3A_499 : memref<1x64x128xf32, #tpu.memory_space<vmem>> -> memref<64x128xf32, #tpu.memory_space<vmem>>
    %dma_wait3A_501 = arith.constant 0 : i32
    %dma_wait3A_502 = tpu.memref_slice %arg3[%dma_wait3A_501, %multiple_of3A_182] : memref<64x1000000xf32, #tpu.memory_space<hbm>> -> memref<64x128xf32, #tpu.memory_space<hbm>>
    %dma_wait3A_503 = arith.constant 0 : i32
    %dma_wait3A_504 = arith.constant 0 : i32
    %dma_wait3A_505 = tpu.memref_slice %arg8[%dma_wait3A_496, %dma_wait3A_503, %dma_wait3A_504] : memref<6x64x128xf32, #tpu.memory_space<vmem>> -> memref<1x64x128xf32, #tpu.memory_space<vmem>>
    %dma_wait3A_506 = tpu.memref_squeeze %dma_wait3A_505 : memref<1x64x128xf32, #tpu.memory_space<vmem>> -> memref<64x128xf32, #tpu.memory_space<vmem>>
    %dma_wait3A_507 = arith.constant 0 : i32
    %dma_wait3A_508 = tpu.memref_slice %arg3[%dma_wait3A_507, %multiple_of3A_182] : memref<64x1000000xf32, #tpu.memory_space<hbm>> -> memref<64x128xf32, #tpu.memory_space<hbm>>
    tpu.wait_dma2 semaphore(%arg16 : memref<!tpu.dma_semaphore, #tpu.memory_space<semaphore_mem>>) src(%dma_wait3A_508 : memref<64x128xf32, #tpu.memory_space<hbm>>) dst(%dma_wait3A_506 : memref<64x128xf32, #tpu.memory_space<vmem>>)
    %slice3A_509 = vector.extract_strided_slice %gather3A {offsets = [6], sizes = [1], strides = [1]} : vector<16xi32> to vector<1xi32>
    %squeeze3A_510 = vector.extract %slice3A_509[0] : i32 from vector<1xi32>
    %and3A_511 = arith.constant 127 : i32
    %and3A_512 = arith.andi %squeeze3A_510, %and3A_511 : i32
    %broadcast_in_dim3A_513 = vector.broadcast %and3A_512 : i32 to vector<16xi32>
    %broadcast_in_dim3A_514 = arith.constant 0 : i32
    %broadcast_in_dim3A_515 = vector.broadcast %broadcast_in_dim3A_514 : i32 to vector<16xi32>
    %add3A_516 = arith.constant 0 : i32
    %add3A_517 = vector.broadcast %add3A_516 : i32 to vector<16xi32>
    %add3A_518 = arith.addi %iota3A, %add3A_517 : vector<16xi32>
    %gather3A_519 = tpu.vector_load_idx %arg8[%broadcast_in_dim3A_515, %add3A_518, %broadcast_in_dim3A_513] : memref<6x64x128xf32, #tpu.memory_space<vmem>>[vector<16xi32>, vector<16xi32>, vector<16xi32>], vector<16xf32>,
    %add3A_520 = arith.addf %add3A_460, %gather3A_519 : vector<16xf32>
    %add3A_521 = arith.constant 16 : i32
    %add3A_522 = vector.broadcast %add3A_521 : i32 to vector<16xi32>
    %add3A_523 = arith.addi %iota3A, %add3A_522 : vector<16xi32>
    %gather3A_524 = tpu.vector_load_idx %arg8[%broadcast_in_dim3A_515, %add3A_523, %broadcast_in_dim3A_513] : memref<6x64x128xf32, #tpu.memory_space<vmem>>[vector<16xi32>, vector<16xi32>, vector<16xi32>], vector<16xf32>,
    %add3A_525 = arith.addf %add3A_465, %gather3A_524 : vector<16xf32>
    %add3A_526 = arith.constant 32 : i32
    %add3A_527 = vector.broadcast %add3A_526 : i32 to vector<16xi32>
    %add3A_528 = arith.addi %iota3A, %add3A_527 : vector<16xi32>
    %gather3A_529 = tpu.vector_load_idx %arg8[%broadcast_in_dim3A_515, %add3A_528, %broadcast_in_dim3A_513] : memref<6x64x128xf32, #tpu.memory_space<vmem>>[vector<16xi32>, vector<16xi32>, vector<16xi32>], vector<16xf32>,
    %add3A_530 = arith.addf %add3A_470, %gather3A_529 : vector<16xf32>
    %add3A_531 = arith.constant 48 : i32
    %add3A_532 = vector.broadcast %add3A_531 : i32 to vector<16xi32>
    %add3A_533 = arith.addi %iota3A, %add3A_532 : vector<16xi32>
    %gather3A_534 = tpu.vector_load_idx %arg8[%broadcast_in_dim3A_515, %add3A_533, %broadcast_in_dim3A_513] : memref<6x64x128xf32, #tpu.memory_space<vmem>>[vector<16xi32>, vector<16xi32>, vector<16xi32>], vector<16xf32>,
    %add3A_535 = arith.addf %add3A_475, %gather3A_534 : vector<16xf32>
    %dma_wait3A_536 = arith.constant 1 : i32
    %dma_wait3A_537 = arith.constant 0 : i32
    %dma_wait3A_538 = arith.constant 0 : i32
    %dma_wait3A_539 = tpu.memref_slice %arg8[%dma_wait3A_536, %dma_wait3A_537, %dma_wait3A_538] : memref<6x64x128xf32, #tpu.memory_space<vmem>> -> memref<1x64x128xf32, #tpu.memory_space<vmem>>
    %dma_wait3A_540 = tpu.memref_squeeze %dma_wait3A_539 : memref<1x64x128xf32, #tpu.memory_space<vmem>> -> memref<64x128xf32, #tpu.memory_space<vmem>>
    %dma_wait3A_541 = arith.constant 0 : i32
    %dma_wait3A_542 = tpu.memref_slice %arg3[%dma_wait3A_541, %multiple_of3A_242] : memref<64x1000000xf32, #tpu.memory_space<hbm>> -> memref<64x128xf32, #tpu.memory_space<hbm>>
    %dma_wait3A_543 = arith.constant 0 : i32
    %dma_wait3A_544 = arith.constant 0 : i32
    %dma_wait3A_545 = tpu.memref_slice %arg8[%dma_wait3A_536, %dma_wait3A_543, %dma_wait3A_544] : memref<6x64x128xf32, #tpu.memory_space<vmem>> -> memref<1x64x128xf32, #tpu.memory_space<vmem>>
    %dma_wait3A_546 = tpu.memref_squeeze %dma_wait3A_545 : memref<1x64x128xf32, #tpu.memory_space<vmem>> -> memref<64x128xf32, #tpu.memory_space<vmem>>
    %dma_wait3A_547 = arith.constant 0 : i32
    %dma_wait3A_548 = tpu.memref_slice %arg3[%dma_wait3A_547, %multiple_of3A_242] : memref<64x1000000xf32, #tpu.memory_space<hbm>> -> memref<64x128xf32, #tpu.memory_space<hbm>>
    tpu.wait_dma2 semaphore(%arg17 : memref<!tpu.dma_semaphore, #tpu.memory_space<semaphore_mem>>) src(%dma_wait3A_548 : memref<64x128xf32, #tpu.memory_space<hbm>>) dst(%dma_wait3A_546 : memref<64x128xf32, #tpu.memory_space<vmem>>)
    %slice3A_549 = vector.extract_strided_slice %gather3A {offsets = [7], sizes = [1], strides = [1]} : vector<16xi32> to vector<1xi32>
    %squeeze3A_550 = vector.extract %slice3A_549[0] : i32 from vector<1xi32>
    %and3A_551 = arith.constant 127 : i32
    %and3A_552 = arith.andi %squeeze3A_550, %and3A_551 : i32
    %broadcast_in_dim3A_553 = vector.broadcast %and3A_552 : i32 to vector<16xi32>
    %broadcast_in_dim3A_554 = arith.constant 1 : i32
    %broadcast_in_dim3A_555 = vector.broadcast %broadcast_in_dim3A_554 : i32 to vector<16xi32>
    %add3A_556 = arith.constant 0 : i32
    %add3A_557 = vector.broadcast %add3A_556 : i32 to vector<16xi32>
    %add3A_558 = arith.addi %iota3A, %add3A_557 : vector<16xi32>
    %gather3A_559 = tpu.vector_load_idx %arg8[%broadcast_in_dim3A_555, %add3A_558, %broadcast_in_dim3A_553] : memref<6x64x128xf32, #tpu.memory_space<vmem>>[vector<16xi32>, vector<16xi32>, vector<16xi32>], vector<16xf32>,
    %add3A_560 = arith.addf %add3A_520, %gather3A_559 : vector<16xf32>
    %add3A_561 = arith.constant 16 : i32
    %add3A_562 = vector.broadcast %add3A_561 : i32 to vector<16xi32>
    %add3A_563 = arith.addi %iota3A, %add3A_562 : vector<16xi32>
    %gather3A_564 = tpu.vector_load_idx %arg8[%broadcast_in_dim3A_555, %add3A_563, %broadcast_in_dim3A_553] : memref<6x64x128xf32, #tpu.memory_space<vmem>>[vector<16xi32>, vector<16xi32>, vector<16xi32>], vector<16xf32>,
    %add3A_565 = arith.addf %add3A_525, %gather3A_564 : vector<16xf32>
    %add3A_566 = arith.constant 32 : i32
    %add3A_567 = vector.broadcast %add3A_566 : i32 to vector<16xi32>
    %add3A_568 = arith.addi %iota3A, %add3A_567 : vector<16xi32>
    %gather3A_569 = tpu.vector_load_idx %arg8[%broadcast_in_dim3A_555, %add3A_568, %broadcast_in_dim3A_553] : memref<6x64x128xf32, #tpu.memory_space<vmem>>[vector<16xi32>, vector<16xi32>, vector<16xi32>], vector<16xf32>,
    %add3A_570 = arith.addf %add3A_530, %gather3A_569 : vector<16xf32>
    %add3A_571 = arith.constant 48 : i32
    %add3A_572 = vector.broadcast %add3A_571 : i32 to vector<16xi32>
    %add3A_573 = arith.addi %iota3A, %add3A_572 : vector<16xi32>
    %gather3A_574 = tpu.vector_load_idx %arg8[%broadcast_in_dim3A_555, %add3A_573, %broadcast_in_dim3A_553] : memref<6x64x128xf32, #tpu.memory_space<vmem>>[vector<16xi32>, vector<16xi32>, vector<16xi32>], vector<16xf32>,
    %add3A_575 = arith.addf %add3A_535, %gather3A_574 : vector<16xf32>
    %dma_wait3A_576 = arith.constant 2 : i32
    %dma_wait3A_577 = arith.constant 0 : i32
    %dma_wait3A_578 = arith.constant 0 : i32
    %dma_wait3A_579 = tpu.memref_slice %arg8[%dma_wait3A_576, %dma_wait3A_577, %dma_wait3A_578] : memref<6x64x128xf32, #tpu.memory_space<vmem>> -> memref<1x64x128xf32, #tpu.memory_space<vmem>>
    %dma_wait3A_580 = tpu.memref_squeeze %dma_wait3A_579 : memref<1x64x128xf32, #tpu.memory_space<vmem>> -> memref<64x128xf32, #tpu.memory_space<vmem>>
    %dma_wait3A_581 = arith.constant 0 : i32
    %dma_wait3A_582 = tpu.memref_slice %arg3[%dma_wait3A_581, %multiple_of3A_302] : memref<64x1000000xf32, #tpu.memory_space<hbm>> -> memref<64x128xf32, #tpu.memory_space<hbm>>
    %dma_wait3A_583 = arith.constant 0 : i32
    %dma_wait3A_584 = arith.constant 0 : i32
    %dma_wait3A_585 = tpu.memref_slice %arg8[%dma_wait3A_576, %dma_wait3A_583, %dma_wait3A_584] : memref<6x64x128xf32, #tpu.memory_space<vmem>> -> memref<1x64x128xf32, #tpu.memory_space<vmem>>
    %dma_wait3A_586 = tpu.memref_squeeze %dma_wait3A_585 : memref<1x64x128xf32, #tpu.memory_space<vmem>> -> memref<64x128xf32, #tpu.memory_space<vmem>>
    %dma_wait3A_587 = arith.constant 0 : i32
    %dma_wait3A_588 = tpu.memref_slice %arg3[%dma_wait3A_587, %multiple_of3A_302] : memref<64x1000000xf32, #tpu.memory_space<hbm>> -> memref<64x128xf32, #tpu.memory_space<hbm>>
    tpu.wait_dma2 semaphore(%arg18 : memref<!tpu.dma_semaphore, #tpu.memory_space<semaphore_mem>>) src(%dma_wait3A_588 : memref<64x128xf32, #tpu.memory_space<hbm>>) dst(%dma_wait3A_586 : memref<64x128xf32, #tpu.memory_space<vmem>>)
    %slice3A_589 = vector.extract_strided_slice %gather3A {offsets = [8], sizes = [1], strides = [1]} : vector<16xi32> to vector<1xi32>
    %squeeze3A_590 = vector.extract %slice3A_589[0] : i32 from vector<1xi32>
    %and3A_591 = arith.constant 127 : i32
    %and3A_592 = arith.andi %squeeze3A_590, %and3A_591 : i32
    %broadcast_in_dim3A_593 = vector.broadcast %and3A_592 : i32 to vector<16xi32>
    %broadcast_in_dim3A_594 = arith.constant 2 : i32
    %broadcast_in_dim3A_595 = vector.broadcast %broadcast_in_dim3A_594 : i32 to vector<16xi32>
    %add3A_596 = arith.constant 0 : i32
    %add3A_597 = vector.broadcast %add3A_596 : i32 to vector<16xi32>
    %add3A_598 = arith.addi %iota3A, %add3A_597 : vector<16xi32>
    %gather3A_599 = tpu.vector_load_idx %arg8[%broadcast_in_dim3A_595, %add3A_598, %broadcast_in_dim3A_593] : memref<6x64x128xf32, #tpu.memory_space<vmem>>[vector<16xi32>, vector<16xi32>, vector<16xi32>], vector<16xf32>,
    %add3A_600 = arith.addf %add3A_560, %gather3A_599 : vector<16xf32>
    %add3A_601 = arith.constant 16 : i32
    %add3A_602 = vector.broadcast %add3A_601 : i32 to vector<16xi32>
    %add3A_603 = arith.addi %iota3A, %add3A_602 : vector<16xi32>
    %gather3A_604 = tpu.vector_load_idx %arg8[%broadcast_in_dim3A_595, %add3A_603, %broadcast_in_dim3A_593] : memref<6x64x128xf32, #tpu.memory_space<vmem>>[vector<16xi32>, vector<16xi32>, vector<16xi32>], vector<16xf32>,
    %add3A_605 = arith.addf %add3A_565, %gather3A_604 : vector<16xf32>
    %add3A_606 = arith.constant 32 : i32
    %add3A_607 = vector.broadcast %add3A_606 : i32 to vector<16xi32>
    %add3A_608 = arith.addi %iota3A, %add3A_607 : vector<16xi32>
    %gather3A_609 = tpu.vector_load_idx %arg8[%broadcast_in_dim3A_595, %add3A_608, %broadcast_in_dim3A_593] : memref<6x64x128xf32, #tpu.memory_space<vmem>>[vector<16xi32>, vector<16xi32>, vector<16xi32>], vector<16xf32>,
    %add3A_610 = arith.addf %add3A_570, %gather3A_609 : vector<16xf32>
    %add3A_611 = arith.constant 48 : i32
    %add3A_612 = vector.broadcast %add3A_611 : i32 to vector<16xi32>
    %add3A_613 = arith.addi %iota3A, %add3A_612 : vector<16xi32>
    %gather3A_614 = tpu.vector_load_idx %arg8[%broadcast_in_dim3A_595, %add3A_613, %broadcast_in_dim3A_593] : memref<6x64x128xf32, #tpu.memory_space<vmem>>[vector<16xi32>, vector<16xi32>, vector<16xi32>], vector<16xf32>,
    %add3A_615 = arith.addf %add3A_575, %gather3A_614 : vector<16xf32>
    %dma_wait3A_616 = arith.constant 3 : i32
    %dma_wait3A_617 = arith.constant 0 : i32
    %dma_wait3A_618 = arith.constant 0 : i32
    %dma_wait3A_619 = tpu.memref_slice %arg8[%dma_wait3A_616, %dma_wait3A_617, %dma_wait3A_618] : memref<6x64x128xf32, #tpu.memory_space<vmem>> -> memref<1x64x128xf32, #tpu.memory_space<vmem>>
    %dma_wait3A_620 = tpu.memref_squeeze %dma_wait3A_619 : memref<1x64x128xf32, #tpu.memory_space<vmem>> -> memref<64x128xf32, #tpu.memory_space<vmem>>
    %dma_wait3A_621 = arith.constant 0 : i32
    %dma_wait3A_622 = tpu.memref_slice %arg3[%dma_wait3A_621, %multiple_of3A_362] : memref<64x1000000xf32, #tpu.memory_space<hbm>> -> memref<64x128xf32, #tpu.memory_space<hbm>>
    %dma_wait3A_623 = arith.constant 0 : i32
    %dma_wait3A_624 = arith.constant 0 : i32
    %dma_wait3A_625 = tpu.memref_slice %arg8[%dma_wait3A_616, %dma_wait3A_623, %dma_wait3A_624] : memref<6x64x128xf32, #tpu.memory_space<vmem>> -> memref<1x64x128xf32, #tpu.memory_space<vmem>>
    %dma_wait3A_626 = tpu.memref_squeeze %dma_wait3A_625 : memref<1x64x128xf32, #tpu.memory_space<vmem>> -> memref<64x128xf32, #tpu.memory_space<vmem>>
    %dma_wait3A_627 = arith.constant 0 : i32
    %dma_wait3A_628 = tpu.memref_slice %arg3[%dma_wait3A_627, %multiple_of3A_362] : memref<64x1000000xf32, #tpu.memory_space<hbm>> -> memref<64x128xf32, #tpu.memory_space<hbm>>
    tpu.wait_dma2 semaphore(%arg19 : memref<!tpu.dma_semaphore, #tpu.memory_space<semaphore_mem>>) src(%dma_wait3A_628 : memref<64x128xf32, #tpu.memory_space<hbm>>) dst(%dma_wait3A_626 : memref<64x128xf32, #tpu.memory_space<vmem>>)
    %slice3A_629 = vector.extract_strided_slice %gather3A {offsets = [9], sizes = [1], strides = [1]} : vector<16xi32> to vector<1xi32>
    %squeeze3A_630 = vector.extract %slice3A_629[0] : i32 from vector<1xi32>
    %and3A_631 = arith.constant 127 : i32
    %and3A_632 = arith.andi %squeeze3A_630, %and3A_631 : i32
    %broadcast_in_dim3A_633 = vector.broadcast %and3A_632 : i32 to vector<16xi32>
    %broadcast_in_dim3A_634 = arith.constant 3 : i32
    %broadcast_in_dim3A_635 = vector.broadcast %broadcast_in_dim3A_634 : i32 to vector<16xi32>
    %add3A_636 = arith.constant 0 : i32
    %add3A_637 = vector.broadcast %add3A_636 : i32 to vector<16xi32>
    %add3A_638 = arith.addi %iota3A, %add3A_637 : vector<16xi32>
    %gather3A_639 = tpu.vector_load_idx %arg8[%broadcast_in_dim3A_635, %add3A_638, %broadcast_in_dim3A_633] : memref<6x64x128xf32, #tpu.memory_space<vmem>>[vector<16xi32>, vector<16xi32>, vector<16xi32>], vector<16xf32>,
    %add3A_640 = arith.addf %add3A_600, %gather3A_639 : vector<16xf32>
    %add3A_641 = arith.constant 16 : i32
    %add3A_642 = vector.broadcast %add3A_641 : i32 to vector<16xi32>
    %add3A_643 = arith.addi %iota3A, %add3A_642 : vector<16xi32>
    %gather3A_644 = tpu.vector_load_idx %arg8[%broadcast_in_dim3A_635, %add3A_643, %broadcast_in_dim3A_633] : memref<6x64x128xf32, #tpu.memory_space<vmem>>[vector<16xi32>, vector<16xi32>, vector<16xi32>], vector<16xf32>,
    %add3A_645 = arith.addf %add3A_605, %gather3A_644 : vector<16xf32>
    %add3A_646 = arith.constant 32 : i32
    %add3A_647 = vector.broadcast %add3A_646 : i32 to vector<16xi32>
    %add3A_648 = arith.addi %iota3A, %add3A_647 : vector<16xi32>
    %gather3A_649 = tpu.vector_load_idx %arg8[%broadcast_in_dim3A_635, %add3A_648, %broadcast_in_dim3A_633] : memref<6x64x128xf32, #tpu.memory_space<vmem>>[vector<16xi32>, vector<16xi32>, vector<16xi32>], vector<16xf32>,
    %add3A_650 = arith.addf %add3A_610, %gather3A_649 : vector<16xf32>
    %add3A_651 = arith.constant 48 : i32
    %add3A_652 = vector.broadcast %add3A_651 : i32 to vector<16xi32>
    %add3A_653 = arith.addi %iota3A, %add3A_652 : vector<16xi32>
    %gather3A_654 = tpu.vector_load_idx %arg8[%broadcast_in_dim3A_635, %add3A_653, %broadcast_in_dim3A_633] : memref<6x64x128xf32, #tpu.memory_space<vmem>>[vector<16xi32>, vector<16xi32>, vector<16xi32>], vector<16xf32>,
    %add3A_655 = arith.addf %add3A_615, %gather3A_654 : vector<16xf32>
    %dma_wait3A_656 = arith.constant 4 : i32
    %dma_wait3A_657 = arith.constant 0 : i32
    %dma_wait3A_658 = arith.constant 0 : i32
    %dma_wait3A_659 = tpu.memref_slice %arg8[%dma_wait3A_656, %dma_wait3A_657, %dma_wait3A_658] : memref<6x64x128xf32, #tpu.memory_space<vmem>> -> memref<1x64x128xf32, #tpu.memory_space<vmem>>
    %dma_wait3A_660 = tpu.memref_squeeze %dma_wait3A_659 : memref<1x64x128xf32, #tpu.memory_space<vmem>> -> memref<64x128xf32, #tpu.memory_space<vmem>>
    %dma_wait3A_661 = arith.constant 0 : i32
    %dma_wait3A_662 = tpu.memref_slice %arg3[%dma_wait3A_661, %multiple_of3A_422] : memref<64x1000000xf32, #tpu.memory_space<hbm>> -> memref<64x128xf32, #tpu.memory_space<hbm>>
    %dma_wait3A_663 = arith.constant 0 : i32
    %dma_wait3A_664 = arith.constant 0 : i32
    %dma_wait3A_665 = tpu.memref_slice %arg8[%dma_wait3A_656, %dma_wait3A_663, %dma_wait3A_664] : memref<6x64x128xf32, #tpu.memory_space<vmem>> -> memref<1x64x128xf32, #tpu.memory_space<vmem>>
    %dma_wait3A_666 = tpu.memref_squeeze %dma_wait3A_665 : memref<1x64x128xf32, #tpu.memory_space<vmem>> -> memref<64x128xf32, #tpu.memory_space<vmem>>
    %dma_wait3A_667 = arith.constant 0 : i32
    %dma_wait3A_668 = tpu.memref_slice %arg3[%dma_wait3A_667, %multiple_of3A_422] : memref<64x1000000xf32, #tpu.memory_space<hbm>> -> memref<64x128xf32, #tpu.memory_space<hbm>>
    tpu.wait_dma2 semaphore(%arg20 : memref<!tpu.dma_semaphore, #tpu.memory_space<semaphore_mem>>) src(%dma_wait3A_668 : memref<64x128xf32, #tpu.memory_space<hbm>>) dst(%dma_wait3A_666 : memref<64x128xf32, #tpu.memory_space<vmem>>)
    %slice3A_669 = vector.extract_strided_slice %gather3A {offsets = [10], sizes = [1], strides = [1]} : vector<16xi32> to vector<1xi32>
    %squeeze3A_670 = vector.extract %slice3A_669[0] : i32 from vector<1xi32>
    %and3A_671 = arith.constant 127 : i32
    %and3A_672 = arith.andi %squeeze3A_670, %and3A_671 : i32
    %broadcast_in_dim3A_673 = vector.broadcast %and3A_672 : i32 to vector<16xi32>
    %broadcast_in_dim3A_674 = arith.constant 4 : i32
    %broadcast_in_dim3A_675 = vector.broadcast %broadcast_in_dim3A_674 : i32 to vector<16xi32>
    %add3A_676 = arith.constant 0 : i32
    %add3A_677 = vector.broadcast %add3A_676 : i32 to vector<16xi32>
    %add3A_678 = arith.addi %iota3A, %add3A_677 : vector<16xi32>
    %gather3A_679 = tpu.vector_load_idx %arg8[%broadcast_in_dim3A_675, %add3A_678, %broadcast_in_dim3A_673] : memref<6x64x128xf32, #tpu.memory_space<vmem>>[vector<16xi32>, vector<16xi32>, vector<16xi32>], vector<16xf32>,
    %add3A_680 = arith.addf %add3A_640, %gather3A_679 : vector<16xf32>
    %add3A_681 = arith.constant 16 : i32
    %add3A_682 = vector.broadcast %add3A_681 : i32 to vector<16xi32>
    %add3A_683 = arith.addi %iota3A, %add3A_682 : vector<16xi32>
    %gather3A_684 = tpu.vector_load_idx %arg8[%broadcast_in_dim3A_675, %add3A_683, %broadcast_in_dim3A_673] : memref<6x64x128xf32, #tpu.memory_space<vmem>>[vector<16xi32>, vector<16xi32>, vector<16xi32>], vector<16xf32>,
    %add3A_685 = arith.addf %add3A_645, %gather3A_684 : vector<16xf32>
    %add3A_686 = arith.constant 32 : i32
    %add3A_687 = vector.broadcast %add3A_686 : i32 to vector<16xi32>
    %add3A_688 = arith.addi %iota3A, %add3A_687 : vector<16xi32>
    %gather3A_689 = tpu.vector_load_idx %arg8[%broadcast_in_dim3A_675, %add3A_688, %broadcast_in_dim3A_673] : memref<6x64x128xf32, #tpu.memory_space<vmem>>[vector<16xi32>, vector<16xi32>, vector<16xi32>], vector<16xf32>,
    %add3A_690 = arith.addf %add3A_650, %gather3A_689 : vector<16xf32>
    %add3A_691 = arith.constant 48 : i32
    %add3A_692 = vector.broadcast %add3A_691 : i32 to vector<16xi32>
    %add3A_693 = arith.addi %iota3A, %add3A_692 : vector<16xi32>
    %gather3A_694 = tpu.vector_load_idx %arg8[%broadcast_in_dim3A_675, %add3A_693, %broadcast_in_dim3A_673] : memref<6x64x128xf32, #tpu.memory_space<vmem>>[vector<16xi32>, vector<16xi32>, vector<16xi32>], vector<16xf32>,
    %add3A_695 = arith.addf %add3A_655, %gather3A_694 : vector<16xf32>
    %dma_wait3A_696 = arith.constant 5 : i32
    %dma_wait3A_697 = arith.constant 0 : i32
    %dma_wait3A_698 = arith.constant 0 : i32
    %dma_wait3A_699 = tpu.memref_slice %arg8[%dma_wait3A_696, %dma_wait3A_697, %dma_wait3A_698] : memref<6x64x128xf32, #tpu.memory_space<vmem>> -> memref<1x64x128xf32, #tpu.memory_space<vmem>>
    %dma_wait3A_700 = tpu.memref_squeeze %dma_wait3A_699 : memref<1x64x128xf32, #tpu.memory_space<vmem>> -> memref<64x128xf32, #tpu.memory_space<vmem>>
    %dma_wait3A_701 = arith.constant 0 : i32
    %dma_wait3A_702 = tpu.memref_slice %arg3[%dma_wait3A_701, %multiple_of3A_482] : memref<64x1000000xf32, #tpu.memory_space<hbm>> -> memref<64x128xf32, #tpu.memory_space<hbm>>
    %dma_wait3A_703 = arith.constant 0 : i32
    %dma_wait3A_704 = arith.constant 0 : i32
    %dma_wait3A_705 = tpu.memref_slice %arg8[%dma_wait3A_696, %dma_wait3A_703, %dma_wait3A_704] : memref<6x64x128xf32, #tpu.memory_space<vmem>> -> memref<1x64x128xf32, #tpu.memory_space<vmem>>
    %dma_wait3A_706 = tpu.memref_squeeze %dma_wait3A_705 : memref<1x64x128xf32, #tpu.memory_space<vmem>> -> memref<64x128xf32, #tpu.memory_space<vmem>>
    %dma_wait3A_707 = arith.constant 0 : i32
    %dma_wait3A_708 = tpu.memref_slice %arg3[%dma_wait3A_707, %multiple_of3A_482] : memref<64x1000000xf32, #tpu.memory_space<hbm>> -> memref<64x128xf32, #tpu.memory_space<hbm>>
    tpu.wait_dma2 semaphore(%arg21 : memref<!tpu.dma_semaphore, #tpu.memory_space<semaphore_mem>>) src(%dma_wait3A_708 : memref<64x128xf32, #tpu.memory_space<hbm>>) dst(%dma_wait3A_706 : memref<64x128xf32, #tpu.memory_space<vmem>>)
    %slice3A_709 = vector.extract_strided_slice %gather3A {offsets = [11], sizes = [1], strides = [1]} : vector<16xi32> to vector<1xi32>
    %squeeze3A_710 = vector.extract %slice3A_709[0] : i32 from vector<1xi32>
    %and3A_711 = arith.constant 127 : i32
    %and3A_712 = arith.andi %squeeze3A_710, %and3A_711 : i32
    %broadcast_in_dim3A_713 = vector.broadcast %and3A_712 : i32 to vector<16xi32>
    %broadcast_in_dim3A_714 = arith.constant 5 : i32
    %broadcast_in_dim3A_715 = vector.broadcast %broadcast_in_dim3A_714 : i32 to vector<16xi32>
    %add3A_716 = arith.constant 0 : i32
    %add3A_717 = vector.broadcast %add3A_716 : i32 to vector<16xi32>
    %add3A_718 = arith.addi %iota3A, %add3A_717 : vector<16xi32>
    %gather3A_719 = tpu.vector_load_idx %arg8[%broadcast_in_dim3A_715, %add3A_718, %broadcast_in_dim3A_713] : memref<6x64x128xf32, #tpu.memory_space<vmem>>[vector<16xi32>, vector<16xi32>, vector<16xi32>], vector<16xf32>,
    %add3A_720 = arith.addf %add3A_680, %gather3A_719 : vector<16xf32>
    %add3A_721 = arith.constant 16 : i32
    %add3A_722 = vector.broadcast %add3A_721 : i32 to vector<16xi32>
    %add3A_723 = arith.addi %iota3A, %add3A_722 : vector<16xi32>
    %gather3A_724 = tpu.vector_load_idx %arg8[%broadcast_in_dim3A_715, %add3A_723, %broadcast_in_dim3A_713] : memref<6x64x128xf32, #tpu.memory_space<vmem>>[vector<16xi32>, vector<16xi32>, vector<16xi32>], vector<16xf32>,
    %add3A_725 = arith.addf %add3A_685, %gather3A_724 : vector<16xf32>
    %add3A_726 = arith.constant 32 : i32
    %add3A_727 = vector.broadcast %add3A_726 : i32 to vector<16xi32>
    %add3A_728 = arith.addi %iota3A, %add3A_727 : vector<16xi32>
    %gather3A_729 = tpu.vector_load_idx %arg8[%broadcast_in_dim3A_715, %add3A_728, %broadcast_in_dim3A_713] : memref<6x64x128xf32, #tpu.memory_space<vmem>>[vector<16xi32>, vector<16xi32>, vector<16xi32>], vector<16xf32>,
    %add3A_730 = arith.addf %add3A_690, %gather3A_729 : vector<16xf32>
    %add3A_731 = arith.constant 48 : i32
    %add3A_732 = vector.broadcast %add3A_731 : i32 to vector<16xi32>
    %add3A_733 = arith.addi %iota3A, %add3A_732 : vector<16xi32>
    %gather3A_734 = tpu.vector_load_idx %arg8[%broadcast_in_dim3A_715, %add3A_733, %broadcast_in_dim3A_713] : memref<6x64x128xf32, #tpu.memory_space<vmem>>[vector<16xi32>, vector<16xi32>, vector<16xi32>], vector<16xf32>,
    %add3A_735 = arith.addf %add3A_695, %gather3A_734 : vector<16xf32>
    %swap3A = arith.constant 0 : index
    %swap3A_736 = tpu.vector_load %arg9[%swap3A] {strides = array<i32>} : memref<128xf32, #tpu.memory_space<vmem>>, vector<16xf32>,
    tpu.vector_store %arg9[%swap3A], %add3A_720 {strides = array<i32>} : memref<128xf32, #tpu.memory_space<vmem>>, vector<16xf32>,
    %swap3A_737 = arith.constant 16 : index
    %swap3A_738 = tpu.vector_load %arg9[%swap3A_737] {strides = array<i32>} : memref<128xf32, #tpu.memory_space<vmem>>, vector<16xf32>,
    tpu.vector_store %arg9[%swap3A_737], %add3A_725 {strides = array<i32>} : memref<128xf32, #tpu.memory_space<vmem>>, vector<16xf32>,
    %swap3A_739 = arith.constant 32 : index
    %swap3A_740 = tpu.vector_load %arg9[%swap3A_739] {strides = array<i32>} : memref<128xf32, #tpu.memory_space<vmem>>, vector<16xf32>,
    tpu.vector_store %arg9[%swap3A_739], %add3A_730 {strides = array<i32>} : memref<128xf32, #tpu.memory_space<vmem>>, vector<16xf32>,
    %swap3A_741 = arith.constant 48 : index
    %swap3A_742 = tpu.vector_load %arg9[%swap3A_741] {strides = array<i32>} : memref<128xf32, #tpu.memory_space<vmem>>, vector<16xf32>,
    tpu.vector_store %arg9[%swap3A_741], %add3A_735 {strides = array<i32>} : memref<128xf32, #tpu.memory_space<vmem>>, vector<16xf32>,
    %lt3A = arith.constant 8 : i32
    %lt3A_743 = arith.cmpi slt, %arg1, %lt3A : i32
    %convert_element_type3A = arith.extui %lt3A_743 : i1 to i32
    %cond3A = arith.constant 0 : i32
    %cond3A_744 = arith.cmpi ne, %convert_element_type3A, %cond3A : i32
    scf.if %cond3A_744 {
      %slice3A_801 = vector.extract_strided_slice %gather3A {offsets = [12], sizes = [1], strides = [1]} : vector<16xi32> to vector<1xi32>
      %squeeze3A_802 = vector.extract %slice3A_801[0] : i32 from vector<1xi32>
      %shift_right_arithmetic3A_803 = arith.constant 7 : i32
      %shift_right_arithmetic3A_804 = arith.shrsi %squeeze3A_802, %shift_right_arithmetic3A_803 : i32
      %mul3A_805 = arith.constant 128 : i32
      %mul3A_806 = arith.muli %shift_right_arithmetic3A_804, %mul3A_805 : i32
      %multiple_of3A_807 = tpu.assume_multiple %mul3A_806, 128 : i32
      %dma_start3A_808 = arith.constant 0 : i32
      %dma_start3A_809 = arith.constant 0 : i32
      %dma_start3A_810 = arith.constant 0 : i32
      %dma_start3A_811 = tpu.memref_slice %arg8[%dma_start3A_808, %dma_start3A_809, %dma_start3A_810] : memref<6x64x128xf32, #tpu.memory_space<vmem>> -> memref<1x64x128xf32, #tpu.memory_space<vmem>>
      %dma_start3A_812 = tpu.memref_squeeze %dma_start3A_811 : memref<1x64x128xf32, #tpu.memory_space<vmem>> -> memref<64x128xf32, #tpu.memory_space<vmem>>
      %dma_start3A_813 = arith.constant 0 : i32
      %dma_start3A_814 = tpu.memref_slice %arg3[%dma_start3A_813, %multiple_of3A_807] : memref<64x1000000xf32, #tpu.memory_space<hbm>> -> memref<64x128xf32, #tpu.memory_space<hbm>>
      %dma_start3A_815 = arith.constant 0 : i32
      %dma_start3A_816 = arith.constant 0 : i32
      %dma_start3A_817 = tpu.memref_slice %arg8[%dma_start3A_808, %dma_start3A_815, %dma_start3A_816] : memref<6x64x128xf32, #tpu.memory_space<vmem>> -> memref<1x64x128xf32, #tpu.memory_space<vmem>>
      %dma_start3A_818 = tpu.memref_squeeze %dma_start3A_817 : memref<1x64x128xf32, #tpu.memory_space<vmem>> -> memref<64x128xf32, #tpu.memory_space<vmem>>
      %dma_start3A_819 = arith.constant 0 : i32
      %dma_start3A_820 = tpu.memref_slice %arg3[%dma_start3A_819, %multiple_of3A_807] : memref<64x1000000xf32, #tpu.memory_space<hbm>> -> memref<64x128xf32, #tpu.memory_space<hbm>>
      tpu.enqueue_dma source(%dma_start3A_820 : memref<64x128xf32, #tpu.memory_space<hbm>>) target(%dma_start3A_818 : memref<64x128xf32, #tpu.memory_space<vmem>>) target_semaphore(%arg16 : memref<!tpu.dma_semaphore, #tpu.memory_space<semaphore_mem>>)
      %dma_wait3A_821 = arith.constant 0 : i32
      %dma_wait3A_822 = arith.constant 0 : i32
      %dma_wait3A_823 = arith.constant 0 : i32
      %dma_wait3A_824 = tpu.memref_slice %arg8[%dma_wait3A_821, %dma_wait3A_822, %dma_wait3A_823] : memref<6x64x128xf32, #tpu.memory_space<vmem>> -> memref<1x64x128xf32, #tpu.memory_space<vmem>>
      %dma_wait3A_825 = tpu.memref_squeeze %dma_wait3A_824 : memref<1x64x128xf32, #tpu.memory_space<vmem>> -> memref<64x128xf32, #tpu.memory_space<vmem>>
      %dma_wait3A_826 = arith.constant 0 : i32
      %dma_wait3A_827 = tpu.memref_slice %arg3[%dma_wait3A_826, %multiple_of3A_807] : memref<64x1000000xf32, #tpu.memory_space<hbm>> -> memref<64x128xf32, #tpu.memory_space<hbm>>
      %dma_wait3A_828 = arith.constant 0 : i32
      %dma_wait3A_829 = arith.constant 0 : i32
      %dma_wait3A_830 = tpu.memref_slice %arg8[%dma_wait3A_821, %dma_wait3A_828, %dma_wait3A_829] : memref<6x64x128xf32, #tpu.memory_space<vmem>> -> memref<1x64x128xf32, #tpu.memory_space<vmem>>
      %dma_wait3A_831 = tpu.memref_squeeze %dma_wait3A_830 : memref<1x64x128xf32, #tpu.memory_space<vmem>> -> memref<64x128xf32, #tpu.memory_space<vmem>>
      %dma_wait3A_832 = arith.constant 0 : i32
      %dma_wait3A_833 = tpu.memref_slice %arg3[%dma_wait3A_832, %multiple_of3A_807] : memref<64x1000000xf32, #tpu.memory_space<hbm>> -> memref<64x128xf32, #tpu.memory_space<hbm>>
      tpu.wait_dma2 semaphore(%arg16 : memref<!tpu.dma_semaphore, #tpu.memory_space<semaphore_mem>>) src(%dma_wait3A_833 : memref<64x128xf32, #tpu.memory_space<hbm>>) dst(%dma_wait3A_831 : memref<64x128xf32, #tpu.memory_space<vmem>>)
      %get3A_834 = arith.constant 0 : index
      %get3A_835 = tpu.vector_load %arg9[%get3A_834] {strides = array<i32>} : memref<128xf32, #tpu.memory_space<vmem>>, vector<16xf32>,
      %get3A_836 = arith.constant 16 : index
      %get3A_837 = tpu.vector_load %arg9[%get3A_836] {strides = array<i32>} : memref<128xf32, #tpu.memory_space<vmem>>, vector<16xf32>,
      %get3A_838 = arith.constant 32 : index
      %get3A_839 = tpu.vector_load %arg9[%get3A_838] {strides = array<i32>} : memref<128xf32, #tpu.memory_space<vmem>>, vector<16xf32>,
      %get3A_840 = arith.constant 48 : index
      %get3A_841 = tpu.vector_load %arg9[%get3A_840] {strides = array<i32>} : memref<128xf32, #tpu.memory_space<vmem>>, vector<16xf32>,
      %slice3A_842 = vector.extract_strided_slice %gather3A {offsets = [12], sizes = [1], strides = [1]} : vector<16xi32> to vector<1xi32>
      %squeeze3A_843 = vector.extract %slice3A_842[0] : i32 from vector<1xi32>
      %and3A_844 = arith.constant 127 : i32
      %and3A_845 = arith.andi %squeeze3A_843, %and3A_844 : i32
      %broadcast_in_dim3A_846 = vector.broadcast %and3A_845 : i32 to vector<16xi32>
      %broadcast_in_dim3A_847 = arith.constant 0 : i32
      %broadcast_in_dim3A_848 = vector.broadcast %broadcast_in_dim3A_847 : i32 to vector<16xi32>
      %add3A_849 = arith.constant 0 : i32
      %add3A_850 = vector.broadcast %add3A_849 : i32 to vector<16xi32>
      %add3A_851 = arith.addi %iota3A, %add3A_850 : vector<16xi32>
      %gather3A_852 = tpu.vector_load_idx %arg8[%broadcast_in_dim3A_848, %add3A_851, %broadcast_in_dim3A_846] : memref<6x64x128xf32, #tpu.memory_space<vmem>>[vector<16xi32>, vector<16xi32>, vector<16xi32>], vector<16xf32>,
      %add3A_853 = arith.addf %get3A_835, %gather3A_852 : vector<16xf32>
      %add3A_854 = arith.constant 16 : i32
      %add3A_855 = vector.broadcast %add3A_854 : i32 to vector<16xi32>
      %add3A_856 = arith.addi %iota3A, %add3A_855 : vector<16xi32>
      %gather3A_857 = tpu.vector_load_idx %arg8[%broadcast_in_dim3A_848, %add3A_856, %broadcast_in_dim3A_846] : memref<6x64x128xf32, #tpu.memory_space<vmem>>[vector<16xi32>, vector<16xi32>, vector<16xi32>], vector<16xf32>,
      %add3A_858 = arith.addf %get3A_837, %gather3A_857 : vector<16xf32>
      %add3A_859 = arith.constant 32 : i32
      %add3A_860 = vector.broadcast %add3A_859 : i32 to vector<16xi32>
      %add3A_861 = arith.addi %iota3A, %add3A_860 : vector<16xi32>
      %gather3A_862 = tpu.vector_load_idx %arg8[%broadcast_in_dim3A_848, %add3A_861, %broadcast_in_dim3A_846] : memref<6x64x128xf32, #tpu.memory_space<vmem>>[vector<16xi32>, vector<16xi32>, vector<16xi32>], vector<16xf32>,
      %add3A_863 = arith.addf %get3A_839, %gather3A_862 : vector<16xf32>
      %add3A_864 = arith.constant 48 : i32
      %add3A_865 = vector.broadcast %add3A_864 : i32 to vector<16xi32>
      %add3A_866 = arith.addi %iota3A, %add3A_865 : vector<16xi32>
      %gather3A_867 = tpu.vector_load_idx %arg8[%broadcast_in_dim3A_848, %add3A_866, %broadcast_in_dim3A_846] : memref<6x64x128xf32, #tpu.memory_space<vmem>>[vector<16xi32>, vector<16xi32>, vector<16xi32>], vector<16xf32>,
      %add3A_868 = arith.addf %get3A_841, %gather3A_867 : vector<16xf32>
      %swap3A_869 = arith.constant 0 : index
      %swap3A_870 = tpu.vector_load %arg9[%swap3A_869] {strides = array<i32>} : memref<128xf32, #tpu.memory_space<vmem>>, vector<16xf32>,
      tpu.vector_store %arg9[%swap3A_869], %add3A_853 {strides = array<i32>} : memref<128xf32, #tpu.memory_space<vmem>>, vector<16xf32>,
      %swap3A_871 = arith.constant 16 : index
      %swap3A_872 = tpu.vector_load %arg9[%swap3A_871] {strides = array<i32>} : memref<128xf32, #tpu.memory_space<vmem>>, vector<16xf32>,
      tpu.vector_store %arg9[%swap3A_871], %add3A_858 {strides = array<i32>} : memref<128xf32, #tpu.memory_space<vmem>>, vector<16xf32>,
      %swap3A_873 = arith.constant 32 : index
      %swap3A_874 = tpu.vector_load %arg9[%swap3A_873] {strides = array<i32>} : memref<128xf32, #tpu.memory_space<vmem>>, vector<16xf32>,
      tpu.vector_store %arg9[%swap3A_873], %add3A_863 {strides = array<i32>} : memref<128xf32, #tpu.memory_space<vmem>>, vector<16xf32>,
      %swap3A_875 = arith.constant 48 : index
      %swap3A_876 = tpu.vector_load %arg9[%swap3A_875] {strides = array<i32>} : memref<128xf32, #tpu.memory_space<vmem>>, vector<16xf32>,
      tpu.vector_store %arg9[%swap3A_875], %add3A_868 {strides = array<i32>} : memref<128xf32, #tpu.memory_space<vmem>>, vector<16xf32>,
    } else {
    }
    "tpu.region"() ({
      %run_scoped3A = tpu.sem_alloc : memref<!tpu.dma_semaphore, #tpu.memory_space<semaphore_mem>>
      %dma_start3A_801 = arith.constant 0 : i32
      %dma_start3A_802 = tpu.memref_slice %arg10[%arg1, %dma_start3A_801] : memref<16x128xf32, #tpu.memory_space<vmem_shared>> -> memref<1x128xf32, #tpu.memory_space<vmem_shared>>
      %dma_start3A_803 = tpu.memref_squeeze %dma_start3A_802 : memref<1x128xf32, #tpu.memory_space<vmem_shared>> -> memref<128xf32, #tpu.memory_space<vmem_shared>>
      %dma_start3A_804 = arith.constant 0 : i32
      %dma_start3A_805 = tpu.memref_slice %arg10[%arg1, %dma_start3A_804] : memref<16x128xf32, #tpu.memory_space<vmem_shared>> -> memref<1x128xf32, #tpu.memory_space<vmem_shared>>
      %dma_start3A_806 = tpu.memref_squeeze %dma_start3A_805 : memref<1x128xf32, #tpu.memory_space<vmem_shared>> -> memref<128xf32, #tpu.memory_space<vmem_shared>>
      tpu.enqueue_dma source(%arg9 : memref<128xf32, #tpu.memory_space<vmem>>) target(%dma_start3A_806 : memref<128xf32, #tpu.memory_space<vmem_shared>>) target_semaphore(%run_scoped3A : memref<!tpu.dma_semaphore, #tpu.memory_space<semaphore_mem>>)
      %dma_wait3A_807 = arith.constant 0 : i32
      %dma_wait3A_808 = tpu.memref_slice %arg10[%arg1, %dma_wait3A_807] : memref<16x128xf32, #tpu.memory_space<vmem_shared>> -> memref<1x128xf32, #tpu.memory_space<vmem_shared>>
      %dma_wait3A_809 = tpu.memref_squeeze %dma_wait3A_808 : memref<1x128xf32, #tpu.memory_space<vmem_shared>> -> memref<128xf32, #tpu.memory_space<vmem_shared>>
      %dma_wait3A_810 = arith.constant 0 : i32
      %dma_wait3A_811 = tpu.memref_slice %arg10[%arg1, %dma_wait3A_810] : memref<16x128xf32, #tpu.memory_space<vmem_shared>> -> memref<1x128xf32, #tpu.memory_space<vmem_shared>>
      %dma_wait3A_812 = tpu.memref_squeeze %dma_wait3A_811 : memref<1x128xf32, #tpu.memory_space<vmem_shared>> -> memref<128xf32, #tpu.memory_space<vmem_shared>>
      tpu.wait_dma2 semaphore(%run_scoped3A : memref<!tpu.dma_semaphore, #tpu.memory_space<semaphore_mem>>) src(%arg9 : memref<128xf32, #tpu.memory_space<vmem>>) dst(%dma_wait3A_812 : memref<128xf32, #tpu.memory_space<vmem_shared>>)
      tpu.yield
    }) : () -> ()
    %barrier3A = arith.constant 0 : index
    tpu.barrier barrier_id(%barrier3A)
    "tpu.region"() ({
      %run_scoped3A = tpu.sem_alloc : memref<!tpu.dma_semaphore, #tpu.memory_space<semaphore_mem>>
      tpu.enqueue_dma source(%arg10 : memref<16x128xf32, #tpu.memory_space<vmem_shared>>) target(%arg11 : memref<16x128xf32, #tpu.memory_space<vmem>>) target_semaphore(%run_scoped3A : memref<!tpu.dma_semaphore, #tpu.memory_space<semaphore_mem>>)
      tpu.wait_dma2 semaphore(%run_scoped3A : memref<!tpu.dma_semaphore, #tpu.memory_space<semaphore_mem>>) src(%arg10 : memref<16x128xf32, #tpu.memory_space<vmem_shared>>) dst(%arg11 : memref<16x128xf32, #tpu.memory_space<vmem>>)
      tpu.yield
    }) : () -> ()
    %broadcast_in_dim3A_745 = arith.constant 0.000000e+00 : f32
    %broadcast_in_dim3A_746 = vector.broadcast %broadcast_in_dim3A_745 : f32 to vector<16xf32>
    %broadcast_in_dim3A_747 = arith.constant 0.000000e+00 : f32
    %broadcast_in_dim3A_748 = vector.broadcast %broadcast_in_dim3A_747 : f32 to vector<16xf32>
    %broadcast_in_dim3A_749 = arith.constant 0.000000e+00 : f32
    %broadcast_in_dim3A_750 = vector.broadcast %broadcast_in_dim3A_749 : f32 to vector<16xf32>
    %broadcast_in_dim3A_751 = arith.constant 0.000000e+00 : f32
    %broadcast_in_dim3A_752 = vector.broadcast %broadcast_in_dim3A_751 : f32 to vector<16xf32>
    %scan3A = arith.constant 0 : i32
    %scan3A_753 = arith.constant 16 : i32
    %scan3A_754 = arith.addi %scan3A, %scan3A_753 : i32
    %scan3A_755 = arith.constant 1 : i32
    %scan3A_756:4 = scf.for %scan3A_801 = %scan3A to %scan3A_754 step %scan3A_755 iter_args(%scan3A_802 = %broadcast_in_dim3A_746, %scan3A_803 = %broadcast_in_dim3A_748, %scan3A_804 = %broadcast_in_dim3A_750, %scan3A_805 = %broadcast_in_dim3A_752) -> (vector<16xf32>, vector<16xf32>, vector<16xf32>, vector<16xf32>)  : i32 {
      %broadcast_in_dim3A_806 = vector.broadcast %scan3A_801 : i32 to vector<16xi32>
      %add3A_807 = arith.constant 0 : i32
      %add3A_808 = vector.broadcast %add3A_807 : i32 to vector<16xi32>
      %add3A_809 = arith.addi %iota3A, %add3A_808 : vector<16xi32>
      %gather3A_810 = tpu.vector_load_idx %arg11[%broadcast_in_dim3A_806, %add3A_809] : memref<16x128xf32, #tpu.memory_space<vmem>>[vector<16xi32>, vector<16xi32>], vector<16xf32>,
      %add3A_811 = arith.addf %scan3A_802, %gather3A_810 : vector<16xf32>
      %add3A_812 = arith.constant 16 : i32
      %add3A_813 = vector.broadcast %add3A_812 : i32 to vector<16xi32>
      %add3A_814 = arith.addi %iota3A, %add3A_813 : vector<16xi32>
      %gather3A_815 = tpu.vector_load_idx %arg11[%broadcast_in_dim3A_806, %add3A_814] : memref<16x128xf32, #tpu.memory_space<vmem>>[vector<16xi32>, vector<16xi32>], vector<16xf32>,
      %add3A_816 = arith.addf %scan3A_803, %gather3A_815 : vector<16xf32>
      %add3A_817 = arith.constant 32 : i32
      %add3A_818 = vector.broadcast %add3A_817 : i32 to vector<16xi32>
      %add3A_819 = arith.addi %iota3A, %add3A_818 : vector<16xi32>
      %gather3A_820 = tpu.vector_load_idx %arg11[%broadcast_in_dim3A_806, %add3A_819] : memref<16x128xf32, #tpu.memory_space<vmem>>[vector<16xi32>, vector<16xi32>], vector<16xf32>,
      %add3A_821 = arith.addf %scan3A_804, %gather3A_820 : vector<16xf32>
      %add3A_822 = arith.constant 48 : i32
      %add3A_823 = vector.broadcast %add3A_822 : i32 to vector<16xi32>
      %add3A_824 = arith.addi %iota3A, %add3A_823 : vector<16xi32>
      %gather3A_825 = tpu.vector_load_idx %arg11[%broadcast_in_dim3A_806, %add3A_824] : memref<16x128xf32, #tpu.memory_space<vmem>>[vector<16xi32>, vector<16xi32>], vector<16xf32>,
      %add3A_826 = arith.addf %scan3A_805, %gather3A_825 : vector<16xf32>
      scf.yield %add3A_811, %add3A_816, %add3A_821, %add3A_826 : vector<16xf32>, vector<16xf32>, vector<16xf32>, vector<16xf32>
    }
    %scan3A_757 = arith.constant 16 : i32
    %swap3A_758 = arith.constant 0 : index
    %swap3A_759 = tpu.vector_load %arg12[%swap3A_758] {strides = array<i32>} : memref<64xf32, #tpu.memory_space<vmem>>, vector<16xf32>,
    tpu.vector_store %arg12[%swap3A_758], %scan3A_756#0 {strides = array<i32>} : memref<64xf32, #tpu.memory_space<vmem>>, vector<16xf32>,
    %swap3A_760 = arith.constant 16 : index
    %swap3A_761 = tpu.vector_load %arg12[%swap3A_760] {strides = array<i32>} : memref<64xf32, #tpu.memory_space<vmem>>, vector<16xf32>,
    tpu.vector_store %arg12[%swap3A_760], %scan3A_756#1 {strides = array<i32>} : memref<64xf32, #tpu.memory_space<vmem>>, vector<16xf32>,
    %swap3A_762 = arith.constant 32 : index
    %swap3A_763 = tpu.vector_load %arg12[%swap3A_762] {strides = array<i32>} : memref<64xf32, #tpu.memory_space<vmem>>, vector<16xf32>,
    tpu.vector_store %arg12[%swap3A_762], %scan3A_756#2 {strides = array<i32>} : memref<64xf32, #tpu.memory_space<vmem>>, vector<16xf32>,
    %swap3A_764 = arith.constant 48 : index
    %swap3A_765 = tpu.vector_load %arg12[%swap3A_764] {strides = array<i32>} : memref<64xf32, #tpu.memory_space<vmem>>, vector<16xf32>,
    tpu.vector_store %arg12[%swap3A_764], %scan3A_756#3 {strides = array<i32>} : memref<64xf32, #tpu.memory_space<vmem>>, vector<16xf32>,
    %dma_wait3A_766 = arith.constant 0 : i32
    %dma_wait3A_767 = tpu.memref_slice %arg4[%dma_wait3A_766, %multiple_of3A] : memref<64x1000xf32, #tpu.memory_space<hbm>> -> memref<64x128xf32, #tpu.memory_space<hbm>>
    %dma_wait3A_768 = arith.constant 0 : i32
    %dma_wait3A_769 = tpu.memref_slice %arg4[%dma_wait3A_768, %multiple_of3A] : memref<64x1000xf32, #tpu.memory_space<hbm>> -> memref<64x128xf32, #tpu.memory_space<hbm>>
    tpu.wait_dma2 semaphore(%arg22 : memref<!tpu.dma_semaphore, #tpu.memory_space<semaphore_mem>>) src(%dma_wait3A_769 : memref<64x128xf32, #tpu.memory_space<hbm>>) dst(%arg13 : memref<64x128xf32, #tpu.memory_space<vmem>>)
    %dma_wait3A_770 = tpu.memref_slice %arg5[%mul3A_6] : memref<1000xf32, #tpu.memory_space<hbm>> -> memref<64xf32, #tpu.memory_space<hbm>>
    %dma_wait3A_771 = tpu.memref_slice %arg5[%mul3A_6] : memref<1000xf32, #tpu.memory_space<hbm>> -> memref<64xf32, #tpu.memory_space<hbm>>
    tpu.wait_dma2 semaphore(%arg23 : memref<!tpu.dma_semaphore, #tpu.memory_space<semaphore_mem>>) src(%dma_wait3A_771 : memref<64xf32, #tpu.memory_space<hbm>>) dst(%arg14 : memref<64xf32, #tpu.memory_space<vmem>>)
    %and3A_772 = arith.constant 1 : i32
    %and3A_773 = arith.andi %arg1, %and3A_772 : i32
    %mul3A_774 = arith.constant 64 : i32
    %mul3A_775 = arith.muli %and3A_773, %mul3A_774 : i32
    %add3A_776 = vector.broadcast %mul3A_775 : i32 to vector<16xi32>
    %add3A_777 = arith.addi %add3A_776, %iota3A : vector<16xi32>
    %get3A = arith.constant 0 : index
    %get3A_778 = tpu.vector_load %arg14[%get3A] {strides = array<i32>} : memref<64xf32, #tpu.memory_space<vmem>>, vector<16xf32>,
    %get3A_779 = arith.constant 16 : index
    %get3A_780 = tpu.vector_load %arg14[%get3A_779] {strides = array<i32>} : memref<64xf32, #tpu.memory_space<vmem>>, vector<16xf32>,
    %get3A_781 = arith.constant 32 : index
    %get3A_782 = tpu.vector_load %arg14[%get3A_781] {strides = array<i32>} : memref<64xf32, #tpu.memory_space<vmem>>, vector<16xf32>,
    %get3A_783 = arith.constant 48 : index
    %get3A_784 = tpu.vector_load %arg14[%get3A_783] {strides = array<i32>} : memref<64xf32, #tpu.memory_space<vmem>>, vector<16xf32>,
    %scan3A_785 = arith.constant 0 : i32
    %scan3A_786 = arith.constant 64 : i32
    %scan3A_787 = arith.addi %scan3A_785, %scan3A_786 : i32
    %scan3A_788 = arith.constant 1 : i32
    %scan3A_789:4 = scf.for %scan3A_801 = %scan3A_785 to %scan3A_787 step %scan3A_788 iter_args(%scan3A_802 = %get3A_778, %scan3A_803 = %get3A_780, %scan3A_804 = %get3A_782, %scan3A_805 = %get3A_784) -> (vector<16xf32>, vector<16xf32>, vector<16xf32>, vector<16xf32>)  : i32 {
      %broadcast_in_dim3A_806 = vector.broadcast %scan3A_801 : i32 to vector<16xi32>
      %gather3A_807 = tpu.vector_load_idx %arg12[%broadcast_in_dim3A_806] : memref<64xf32, #tpu.memory_space<vmem>>[vector<16xi32>], vector<16xf32>,
      %add3A_808 = arith.constant 0 : i32
      %add3A_809 = vector.broadcast %add3A_808 : i32 to vector<16xi32>
      %add3A_810 = arith.addi %add3A_777, %add3A_809 : vector<16xi32>
      %gather3A_811 = tpu.vector_load_idx %arg13[%broadcast_in_dim3A_806, %add3A_810] : memref<64x128xf32, #tpu.memory_space<vmem>>[vector<16xi32>, vector<16xi32>], vector<16xf32>,
      %mul3A_812 = arith.mulf %gather3A_807, %gather3A_811 : vector<16xf32>
      %add3A_813 = arith.addf %scan3A_802, %mul3A_812 : vector<16xf32>
      %add3A_814 = arith.constant 16 : i32
      %add3A_815 = vector.broadcast %add3A_814 : i32 to vector<16xi32>
      %add3A_816 = arith.addi %add3A_777, %add3A_815 : vector<16xi32>
      %gather3A_817 = tpu.vector_load_idx %arg13[%broadcast_in_dim3A_806, %add3A_816] : memref<64x128xf32, #tpu.memory_space<vmem>>[vector<16xi32>, vector<16xi32>], vector<16xf32>,
      %mul3A_818 = arith.mulf %gather3A_807, %gather3A_817 : vector<16xf32>
      %add3A_819 = arith.addf %scan3A_803, %mul3A_818 : vector<16xf32>
      %add3A_820 = arith.constant 32 : i32
      %add3A_821 = vector.broadcast %add3A_820 : i32 to vector<16xi32>
      %add3A_822 = arith.addi %add3A_777, %add3A_821 : vector<16xi32>
      %gather3A_823 = tpu.vector_load_idx %arg13[%broadcast_in_dim3A_806, %add3A_822] : memref<64x128xf32, #tpu.memory_space<vmem>>[vector<16xi32>, vector<16xi32>], vector<16xf32>,
      %mul3A_824 = arith.mulf %gather3A_807, %gather3A_823 : vector<16xf32>
      %add3A_825 = arith.addf %scan3A_804, %mul3A_824 : vector<16xf32>
      %add3A_826 = arith.constant 48 : i32
      %add3A_827 = vector.broadcast %add3A_826 : i32 to vector<16xi32>
      %add3A_828 = arith.addi %add3A_777, %add3A_827 : vector<16xi32>
      %gather3A_829 = tpu.vector_load_idx %arg13[%broadcast_in_dim3A_806, %add3A_828] : memref<64x128xf32, #tpu.memory_space<vmem>>[vector<16xi32>, vector<16xi32>], vector<16xf32>,
      %mul3A_830 = arith.mulf %gather3A_807, %gather3A_829 : vector<16xf32>
      %add3A_831 = arith.addf %scan3A_805, %mul3A_830 : vector<16xf32>
      scf.yield %add3A_813, %add3A_819, %add3A_825, %add3A_831 : vector<16xf32>, vector<16xf32>, vector<16xf32>, vector<16xf32>
    }
    %scan3A_790 = arith.constant 64 : i32
    %swap3A_791 = arith.constant 0 : index
    %swap3A_792 = tpu.vector_load %arg15[%swap3A_791] {strides = array<i32>} : memref<64xf32, #tpu.memory_space<vmem>>, vector<16xf32>,
    tpu.vector_store %arg15[%swap3A_791], %scan3A_789#0 {strides = array<i32>} : memref<64xf32, #tpu.memory_space<vmem>>, vector<16xf32>,
    %swap3A_793 = arith.constant 16 : index
    %swap3A_794 = tpu.vector_load %arg15[%swap3A_793] {strides = array<i32>} : memref<64xf32, #tpu.memory_space<vmem>>, vector<16xf32>,
    tpu.vector_store %arg15[%swap3A_793], %scan3A_789#1 {strides = array<i32>} : memref<64xf32, #tpu.memory_space<vmem>>, vector<16xf32>,
    %swap3A_795 = arith.constant 32 : index
    %swap3A_796 = tpu.vector_load %arg15[%swap3A_795] {strides = array<i32>} : memref<64xf32, #tpu.memory_space<vmem>>, vector<16xf32>,
    tpu.vector_store %arg15[%swap3A_795], %scan3A_789#2 {strides = array<i32>} : memref<64xf32, #tpu.memory_space<vmem>>, vector<16xf32>,
    %swap3A_797 = arith.constant 48 : index
    %swap3A_798 = tpu.vector_load %arg15[%swap3A_797] {strides = array<i32>} : memref<64xf32, #tpu.memory_space<vmem>>, vector<16xf32>,
    tpu.vector_store %arg15[%swap3A_797], %scan3A_789#3 {strides = array<i32>} : memref<64xf32, #tpu.memory_space<vmem>>, vector<16xf32>,
    %mul3A_799 = arith.constant 64 : i32
    %mul3A_800 = arith.muli %arg1, %mul3A_799 : i32
    "tpu.region"() ({
      %run_scoped3A = tpu.sem_alloc : memref<!tpu.dma_semaphore, #tpu.memory_space<semaphore_mem>>
      %dma_start3A_801 = tpu.memref_slice %arg6[%mul3A_800] : memref<1024xf32, #tpu.memory_space<hbm>> -> memref<64xf32, #tpu.memory_space<hbm>>
      %dma_start3A_802 = tpu.memref_slice %arg6[%mul3A_800] : memref<1024xf32, #tpu.memory_space<hbm>> -> memref<64xf32, #tpu.memory_space<hbm>>
      tpu.enqueue_dma source(%arg15 : memref<64xf32, #tpu.memory_space<vmem>>) target(%dma_start3A_802 : memref<64xf32, #tpu.memory_space<hbm>>) target_semaphore(%run_scoped3A : memref<!tpu.dma_semaphore, #tpu.memory_space<semaphore_mem>>)
      %dma_wait3A_803 = tpu.memref_slice %arg6[%mul3A_800] : memref<1024xf32, #tpu.memory_space<hbm>> -> memref<64xf32, #tpu.memory_space<hbm>>
      %dma_wait3A_804 = tpu.memref_slice %arg6[%mul3A_800] : memref<1024xf32, #tpu.memory_space<hbm>> -> memref<64xf32, #tpu.memory_space<hbm>>
      tpu.wait_dma2 semaphore(%run_scoped3A : memref<!tpu.dma_semaphore, #tpu.memory_space<semaphore_mem>>) src(%arg15 : memref<64xf32, #tpu.memory_space<vmem>>) dst(%dma_wait3A_804 : memref<64xf32, #tpu.memory_space<hbm>>)
      tpu.yield
    }) : () -> ()
    return
  }
}

</mosaic_0001>

<sc_bundles>
// kernel: kernel.3.cloned.1.call-start
scs
__scs_entry_jumppad:
0x0: {  	(pc) =	sbr.rel $0x88, $3  }
0x1: {  	(tag) =	ssettag $0x0;
	lr =	simm.s32 $0x1  }
0x2: {  	[smem:$0x3F9D] =	sst lr;
	_ =	strace $0xD0000000  }
0x3: {  	_ = 	snop  }
0x4: {  	_ = 	snop  }
0x5: {  	_ = 	snop  }
0x6: {  	_ = 	snop  }
0x7: {  	_ = 	snop  }
__scs_overlays_trampoline_lowered:
0x8: {  	[smem:$0x3FAC] =	sst s0  }
0x9: {  	[smem:$0x3FAD] =	sst s1  }
0xa: {  	[smem:$0x3FAE] =	sst s2  }
0xb: {  	[smem:$0x3FAF] =	sst s3  }
0xc: {  	[smem:$0x3FB0] =	sst s4  }
0xd: {  	[smem:$0x3FB1] =	sst s5  }
0xe: {  	[smem:$0x3FB2] =	sst s6  }
0xf: {  	[smem:$0x3FB3] =	sst s7  }
0x10: {  	[smem:$0x3FB4] =	sst s8  }
0x11: {  	[smem:$0x3FB5] =	sst s9;
	s0 =	simm.s32 @!p0 $0x0  }
0x12: {  	s1 =	sld [smem:$0x3F9B];
	s0 =	simm.s32 @p0 $0x1  }
0x13: {  	[smem:$0x3FB6] =	sst s0;
	s0 =	simm.s32 @!p1 $0x0  }
0x14: {  	s2 =	sld [smem:$0x3F9A];
	s0 =	simm.s32 @p1 $0x1  }
0x15: {  	[smem:$0x3FB7] =	sst s0;
	s0 =	simm.s32 @!p2 $0x0  }
0x16: {  	s3 =	sld [smem:$0x3FDB];
	s0 =	simm.s32 @p2 $0x1  }
0x17: {  	s4 =	simm.s32 $0x1BF5;
	[smem:$0x3FB9] =	sst s0  }
0x18: {  	s0 =	sld [smem:$0x3F9C];
	_ =	swait.ge [sflag:s4], $0x0  }
0x19: {  	s7 =	sld [smem:$0x3F9D]  }
0x1a: {  	s8 =	sadd.s32 $0xFFFFE003, lr  }
0x1b: {  	s9 =	sadd.s32 $0xFFFFFEF7, lr;
	s5 =	simm.s32 $0xFFFFFFFF;
	p2 =	slt.u32 s8, $0xFFFFF086  }
0x1c: {  	p1 =	slt.u32 s9, $0xF7A;
	s5 =	simm.s32 @!p2 $0x0  }
0x1d: {  	s5 =	simm.s32 @p1 $0x1;
	p0 =	seq.s32 s7, s2  }
0x1e: {  	s7 =	smul.u32 @!p0 $0xF7A, s2;
	p2 =	seq.s32 @!p0 s5, $0x0  }
0x1f: {  	s9 =	smul.u32 $0xF7A, s1;
	s8 =	simm.s32 @!p0 $0x1BF5;
	p2 =	por !p2, p0  }
0x20: {  	[sflag:s8] =	ssyncset.s32 @!p0 $0xFFFFF086;
	s6 =	sadd.s32 @!p0 s3, s7;
	s7 =	simm.s32 @!p0 $0x108  }
0x21: {  	s3 =	sadd.s32 s3, s9;
	s6 =	sadd.s32 @!p0 $0x88, s6;
	s7 =	simm.s32 @p2 $0x1082  }
0x22: {  	[simem:s7], [sflag:s8] =	dma.local @!p0 [hbm:s6], $0xF7A  }
0x23: {  	s9 =	sor.u32 $0xD0000000, s2;
	s6 =	simm.s32 $0x108;
	_ =	swait.ge @!p0 [sflag:s8], $0x0  }
0x24: {  	s3 =	sadd.s32 $0x88, s3;
	s6 =	simm.s32 @!p1 $0x1082;
	[sflag:s4] =	ssyncset.s32 $0xFFFFF086  }
0x25: {  	[simem:s6], [sflag:s4] =	dma.local [hbm:s3], $0xF7A  }
0x26: {  	[smem:$0x3F9D] =	sst s1;
	(tag) =	ssettag s2;
	_ =	strace s9  }
0x27: {  	s1 =	sld [smem:$0x3FAD]  }
0x28: {  	s2 =	sld [smem:$0x3FAE]  }
0x29: {  	s4 =	sld [smem:$0x3FB0]  }
0x2a: {  	p0 =	seq.s32 s5, $0x0;
	s5 =	sld [smem:$0x3FB1]  }
0x2b: {  	s6 =	sld [smem:$0x3FB2]  }
0x2c: {  	s7 =	sld [smem:$0x3FB3]  }
0x2d: {  	s3 =	simm.s32 $0x108;
	s8 =	sld [smem:$0x3FB4]  }
0x2e: {  	s3 =	simm.s32 @!p0 $0x1082;
	s9 =	sld [smem:$0x3FB5]  }
0x2f: {  	lr =	sadd.s32 s0, s3;
	s0 =	sld [smem:$0x3FAC]  }
0x30: {  	s3 =	sld [smem:$0x3FAF]  }
0x31: {  	[smem:$0x3FB8] =	sst s10  }
0x32: {  	s10 =	sld [smem:$0x3FB6];
	_ =	sdelay $0x3  }
0x33: {  	p0 =	seq.s32 s10, $0x1;
	s10 =	sld [smem:$0x3FB8];
	_ =	sdelay $0x3  }
0x34: {  	[smem:$0x3FB8] =	sst s10  }
0x35: {  	s10 =	sld [smem:$0x3FB7];
	_ =	sdelay $0x3  }
0x36: {  	p1 =	seq.s32 s10, $0x1;
	s10 =	sld [smem:$0x3FB8];
	_ =	sdelay $0x3  }
0x37: {  	[smem:$0x3FB8] =	sst s10  }
0x38: {  	s10 =	sld [smem:$0x3FB9]  }
0x39: {  	_ = 	snop;
	(pc) =	sbr.ind lr, $3  }
0x3a: {  	_ = 	snop  }
0x3b: {  	_ = 	snop  }
0x3c: {  	p2 =	seq.s32 s10, $0x1;
	s10 =	sld [smem:$0x3FB8]  }
0x3d: {  	_ =	shalt  }
0x3e: {  	_ =	shalt  }
0x3f: {  	_ =	shalt  }
0x40: {  	_ =	shalt  }
0x41: {  	_ =	shalt  }
0x42: {  	_ =	shalt  }
0x43: {  	_ =	shalt  }
0x44: {  	_ =	shalt  }
0x45: {  	_ =	shalt  }
0x46: {  	_ =	shalt  }
0x47: {  	_ =	shalt  }
0x48: {  	_ =	shalt  }
0x49: {  	_ =	shalt  }
0x4a: {  	_ =	shalt  }
0x4b: {  	_ =	shalt  }
0x4c: {  	_ =	shalt  }
0x4d: {  	_ =	shalt  }
0x4e: {  	_ =	shalt  }
0x4f: {  	_ =	shalt  }
0x50: {  	_ =	shalt  }
0x51: {  	_ =	shalt  }
0x52: {  	_ =	shalt  }
0x53: {  	_ =	shalt  }
0x54: {  	_ =	shalt  }
0x55: {  	_ =	shalt  }
0x56: {  	_ =	shalt  }
0x57: {  	_ =	shalt  }
0x58: {  	_ =	shalt  }
0x59: {  	_ =	shalt  }
0x5a: {  	_ =	shalt  }
0x5b: {  	_ =	shalt  }
0x5c: {  	_ =	shalt  }
0x5d: {  	_ =	shalt  }
0x5e: {  	_ =	shalt  }
0x5f: {  	_ =	shalt  }
0x60: {  	_ =	shalt  }
0x61: {  	_ =	shalt  }
0x62: {  	_ =	shalt  }
0x63: {  	_ =	shalt  }
0x64: {  	_ =	shalt  }
0x65: {  	_ =	shalt  }
0x66: {  	_ =	shalt  }
0x67: {  	_ =	shalt  }
0x68: {  	_ =	shalt  }
0x69: {  	_ =	shalt  }
0x6a: {  	_ =	shalt  }
0x6b: {  	_ =	shalt  }
0x6c: {  	_ =	shalt  }
0x6d: {  	_ =	shalt  }
0x6e: {  	_ =	shalt  }
0x6f: {  	_ =	shalt  }
0x70: {  	_ =	shalt  }
0x71: {  	_ =	shalt  }
0x72: {  	_ =	shalt  }
0x73: {  	_ =	shalt  }
0x74: {  	_ =	shalt  }
0x75: {  	_ =	shalt  }
0x76: {  	_ =	shalt  }
0x77: {  	_ =	shalt  }
0x78: {  	_ =	shalt  }
0x79: {  	_ =	shalt  }
0x7a: {  	_ =	shalt  }
0x7b: {  	_ =	shalt  }
0x7c: {  	_ =	shalt  }
0x7d: {  	_ =	shalt  }
0x7e: {  	_ =	shalt  }
0x7f: {  	_ =	shalt  }
0x80: {  	_ =	shalt  }
0x81: {  	_ =	shalt  }
0x82: {  	_ =	shalt  }
0x83: {  	_ =	shalt  }
0x84: {  	_ =	shalt  }
0x85: {  	_ =	shalt  }
0x86: {  	_ =	shalt  }
0x87: {  	_ =	shalt  }
.Lfunc_end0:
.L_simem_size_0:
called_computation_lowered:
.L_overlay_start_0:
0x88: {  	s0 =	sld [smem:$0x3FD9]  }
0x89: {  	s1 =	sld [smem:$0x3FFE];
	_ =	sdelay $0x3  }
0x8a: {  	s0 =	sadd.s32 s1, s0  }
0x8b: {  	[smem:$0x3FC4] =	sst s0  }
0x8c: {  	_ = 	snop  }
0x8d: {  	s0 =	sld [smem:$0x3FC9]  }
0x8e: {  	s17 =	sld [smem:$0x3FC8]  }
0x8f: {  	s2 =	sld [smem:$0x3FC7]  }
0x90: {  	s3 =	sld [smem:$0x3FC6]  }
0x91: {  	s4 =	sld [smem:$0x3FD0];
	(tm) =	ssettm $0x1  }
0x92: {  	s5 =	sld [smem:$0x3FFB];
	_ =	sdelay $0x3  }
0x93: {  	_ =	strace s5  }
0x94: {  	s5 =	sld [smem:$0x3FFC];
	_ =	sdelay $0x3  }
0x95: {  	_ =	strace s5  }
0x96: {  	s5 =	sld [smem:$0x3FFD];
	_ =	sdelay $0x3  }
0x97: {  	_ =	strace s5  }
0x98: {  	_ =	strace $0x8FFFFFFF  }
0x99: {  	s18 =	sld [smem:$0x3FDB];
	_ =	sdelay $0x1  }
0x9a: {  	s6 =	simm.s32 $_scs_section_size  }
0x9b: {  	s7 =	simm.s32 $_size__tile_overlayer_lowered;
	s8 =	simm.s32 $_tile_overlayer_lowered  }
0x9c: {  	s21 =	simm.s32 $0x1BFF;
	s20 =	sshll.u32 s8, $0x1;
	s5 =	sadd.s32 s6, s18  }
0x9d: {  	s9 =	simm.s32 $0x0;
	s19 =	sshll.u32 s7, $0x1;
	s7 =	sadd.s32 s20, s5  }
0x9e: {  	[timem:s9], [sflag:s21] =	dma.local [hbm:s7], s19  }
0x9f: {  	_ =	swait.ge [sflag:s21], s19  }
0xa0: {  	s6 =	ssub.s32 $0x0, s19;
	[sflag:s21] =	ssyncset.done $0x0  }
0xa1: {  	[sflag:s21] =	ssyncadd.s32 s6;
	_ =	sdelay $0x1  }
0xa2: {  	s22 =	simm.s32 $0x1B8B  }
0xa3: {  	_ =	swait.ge [sflag:s22], $0x1  }
0xa4: {  	[sflag:s22] =	ssyncset.done $0x0  }
0xa5: {  	s23 =	simm.s32 $0x1B8E;
	[sflag:s22] =	ssyncadd.s32 $0xFFFFFFFF  }
0xa6: {  	s24 =	simm.s32 $execute0_lowered;
	[smem:$0x3FD2] =	sst s23  }
0xa7: {  	s6 =	sshll.u32 s24, $0x1;
	_ =	strace $0x80000046;
	[dreg:$0x1] =	wrdreg $0xFFFFFFFF  }
0xa8: {  	s25 =	simm.s32 $_size_execute0_lowered;
	s5 =	sadd.s32 s5, s6;
	[dreg:$0x0] =	wrdreg $0x0  }
0xa9: {  	s6 =	sshll.u32 s25, $0x1;
	[dreg:$0x2] =	wrdreg s5  }
0xaa: {  	[dreg:$0x3] =	wrdreg s6  }
0xab: {  	[dreg:$0x4] =	wrdreg $0xC0  }
0xac: {  	_ =	task [dreg:s9], $0x5FFFF  }
0xad: {  	[dreg:$0x1] =	wrdreg $0xFFFFFFFF  }
0xae: {  	[dreg:$0x0] =	wrdreg $0x60  }
0xaf: {  	[dreg:$0x2] =	wrdreg s0  }
0xb0: {  	[dreg:$0x3] =	wrdreg s17  }
0xb1: {  	[dreg:$0x4] =	wrdreg s2  }
0xb2: {  	[dreg:$0x5] =	wrdreg s3  }
0xb3: {  	[dreg:$0x6] =	wrdreg s4  }
0xb4: {  	[dreg:$0x7] =	wrdreg $0xC1800  }
0xb5: {  	[dreg:$0x8] =	wrdreg $0x9  }
0xb6: {  	_ =	task.clear_ibuf [dreg:s9], $0x9FFFF;
	_ =	strace $0x90000046  }
0xb7: {  	s26 =	simm.s32 $0x9;
	_ =	strace $0x80000048  }
0xb8: {  	_ =	swait.ge [sflag:s26], $0x1  }
0xb9: {  	[sflag:s26] =	ssyncadd.s32 $0xFFFFFFFF  }
0xba: {  	_ =	strace $0x90000048  }
0xbb: {  	_ =	sfence  }
0xbc: {  	s28 =	sld [smem:$0x0];
	_ =	sdelay $0x1  }
0xbd: {  	s29 =	srdreg.scid  }
0xbe: {  	s30 =	sshll.u32 s29, $0xD;
	s31 =	sshrl.u32 s29, $0x2  }
0xbf: {  	s1 =	sand.u32 $0x1, s29;
	s2 =	sand.u32 $0x4000, s30;
	s0 =	sadd.s32 s31, s28  }
0xc0: {  	s1 =	sor.u32 s2, s1;
	s0 =	sshll.u32 s0, $0x11  }
0xc1: {  	s0 =	sor.u32 s0, s1  }
0xc2: {  	s0 =	sadd.s32 $0x8F2B, s0  }
0xc3: {  	[sflag:s0] =	ssyncadd.remote.s32 $0x1  }
0xc4: {  	_ =	sfence.sel $0xFFFF  }
0xc5: {  	[dreg:$0x0] =	wrdreg $0xFFFFFFFF;
	(pc) =	sbr.abs _section_cstart, $3  }
0xc6: {  	[dreg:$0x1] =	wrdreg $0xFFFFFFFF  }
0xc7: {  	_ =	task.clear_ibuf [dreg:s9], $0x2FFFF;
	_ =	strace $0x9FFFFFFF  }
0xc8: {  	(tm) =	ssettm $0x7FFFFFFF  }
0xc9: {  	_ =	shalt  }
tec
execute0_lowered:
.L_overlay_start_1:
0x0: {  	(tag) =	ssettag $0x1  }
0x1: {  	s6 =	rddreg [dreg:$0x0]  }
0x2: {  	s7 =	rddreg [dreg:$0x1]  }
0x3: {  	s3 =	rddreg [dreg:$0x2]  }
0x4: {  	s8 =	rddreg [dreg:$0x3]  }
0x5: {  	s2 =	rddreg [dreg:$0x4]  }
0x6: {  	s5 =	rddreg [dreg:$0x5]  }
0x7: {  	s1 =	stileid.u32;
	s0 =	rddreg [dreg:$0x6];
	s10 =	simm.s32 $0x0  }
0x8: {  	s12 =	simm.s32 $0x2000;
	s4 =	sshll.u32 s1, $0x6;
	[smem:$0x7FF] =	sst s10  }
0x9: {  	s13 =	simm.s32 $0xCA80;
	s9 =	sand.u32 $0x380, s4;
	_ =	strace $0x80000047  }
0xa: {  	s11 =	sadd.s32 s3, s9;
	s3 =	sshll.u32 s1, $0x3;
	s9 =	simm.s32 $0x400  }
0xb: {  	[tilespmem:s13], [sflag:$0x7] =	stream.strided.gather [hbm4b:s11+s9], $0x2000, s12, s9, $0x38;
	[tilespmem:$0xEB80] =	vst v63  }
0xc: {  	v0 =	vlaneseq.u32;
	s16 =	simm.s32 $0xEA80;
	s8 =	sadd.s32 s8, s3  }
0xd: {  	v1 =	vmul.u32 $0x10, v0;
	[tilespmem:s16], [sflag:$0x8] =	stream.linear.gather [hbm4b:s8+s10], $0x40, $0x38;
	[tilespmem:$0xEB80] =	vst v63  }
0xe: {  	_ = 	snop  }
0xf: {  	v1 =	vor.u32 s1, v1;
	[tilespmem:s10], [sflag:$0x9] =	stream.linear.gather [hbm4b:s6+s10], $0xC8, $0x38;
	[tilespmem:$0xEB80] =	vst v63  }
0x10: {  	s6 =	simm.s32 $0x9  }
0x11: {  	_ =	swait.ge [sflag:s6], $0xC8  }
0x12: {  	[sflag:s6] =	ssyncset.done $0x0  }
0x13: {  	[sflag:s6] =	ssyncadd.s32 $0xFFFFFF38  }
0x14: {  	v1 =	vld.idx.msk [tilespmem:v1+s10+$0x0], $0xffff;
	_ =	sdelay $0x4  }
0x15: {  	(v2sf) =	vpush v1, $0x0;
	_ =	sdelay $0x3  }
0x16: {  	(v2sf) =	vpush v1, $0x1  }
0x17: {  	(v2sf) =	vpush v1, $0x2;
	_ =	sdelay $0x1  }
0x18: {  	(v2sf) =	vpush v1, $0x3;
	_ =	sdelay $0x1  }
0x19: {  	(v2sf) =	vpush v1, $0x4;
	_ =	sdelay $0x5  }
0x1a: {  	s17 =	spop (v2sf);
	(v2sf) =	vpush v1, $0x5;
	_ =	sdelay $0x2  }
0x1b: {  	s15 =	simm.s32 $0x2100;
	s18 =	simm.s32 $0x4100;
	s8 =	simm.s32 $0x100  }
0x1c: {  	s10 =	simm.s32 $0x7A1400;
	s22 =	sand.u32 $0xFFFFF80, s17;
	s21 =	spop (v2sf)  }
0x1d: {  	s23 =	sadd.s32 s7, s22;
	s24 =	sand.u32 $0xFFFFF80, s21;
	s22 =	spop (v2sf)  }
0x1e: {  	[tilespmem:s8], [sflag:$0x1] =	stream.strided.gather [hbm4b:s23+s9], $0x2000, s10, s9, $0x38;
	[tilespmem:$0xEB80] =	vst v63  }
0x1f: {  	s11 =	sadd.s32 s7, s24;
	s25 =	sand.u32 $0xFFFFF80, s22;
	s23 =	spop (v2sf)  }
0x20: {  	[tilespmem:s15], [sflag:$0x2] =	stream.strided.gather [hbm4b:s11+s9], $0x2000, s10, s9, $0x38;
	[tilespmem:$0xEB80] =	vst v63  }
0x21: {  	s26 =	sand.u32 $0xFFFFF80, s23;
	s20 =	spop (v2sf);
	s11 =	sadd.s32 s7, s25  }
0x22: {  	[tilespmem:s18], [sflag:$0x3] =	stream.strided.gather [hbm4b:s11+s9], $0x2000, s10, s9, $0x38;
	[tilespmem:$0xEB80] =	vst v63  }
0x23: {  	s19 =	simm.s32 $0x6100;
	s28 =	sand.u32 $0xFFFFF80, s20;
	s11 =	sadd.s32 s7, s26  }
0x24: {  	[tilespmem:s19], [sflag:$0x4] =	stream.strided.gather [hbm4b:s11+s9], $0x2000, s10, s9, $0x38;
	[tilespmem:$0xEB80] =	vst v63  }
0x25: {  	s14 =	simm.s32 $0x8100;
	s11 =	sadd.s32 s7, s28  }
0x26: {  	[tilespmem:s14], [sflag:$0x5] =	stream.strided.gather [hbm4b:s11+s9], $0x2000, s10, s9, $0x38;
	[tilespmem:$0xEB80] =	vst v63  }
0x27: {  	s16 =	spop (v2sf)  }
0x28: {  	s29 =	sand.u32 $0xFFFFF80, s16  }
0x29: {  	s12 =	simm.s32 $0xA100;
	s11 =	sadd.s32 s7, s29  }
0x2a: {  	[tilespmem:s12], [sflag:$0x6] =	stream.strided.gather [hbm4b:s11+s9], $0x2000, s10, s9, $0x38;
	[tilespmem:$0xEB80] =	vst v63  }
0x2b: {  	s11 =	simm.s32 $0x1  }
0x2c: {  	_ =	swait.ge [sflag:s11], $0x2000  }
0x2d: {  	(v2sf) =	vpush v1, $0x6;
	_ =	sdelay $0x7  }
0x2e: {  	v14 =	vmul.u32 $0x80, v0  }
0x2f: {  	s13 =	sand.u32 $0x7F, s17  }
0x30: {  	v15 =	vor.u32 $0x800, v14;
	v2 =	vor.u32 s13, v14  }
0x31: {  	v16 =	vor.u32 $0x1000, v14;
	v3 =	vor.u32 s13, v15  }
0x32: {  	v17 =	vor.u32 $0x1800, v14;
	v5 =	vor.u32 s13, v16  }
0x33: {  	v6 =	vor.u32 s13, v17;
	[sflag:s11] =	ssyncset.done $0x0  }
0x34: {  	[sflag:s11] =	ssyncadd.s32 $0xFFFFE000  }
0x35: {  	v4 =	vld.idx.msk [tilespmem:v2+s8+$0x0], $0xffff;
	s17 =	spop (v2sf)  }
0x36: {  	v3 =	vld.idx.msk [tilespmem:v3+s8+$0x0], $0xffff;
	s30 =	sand.u32 $0xFFFFF80, s17  }
0x37: {  	v2 =	vld.idx.msk [tilespmem:v5+s8+$0x0], $0xffff;
	s13 =	sadd.s32 s7, s30  }
0x38: {  	v5 =	vld.idx.msk [tilespmem:v6+s8+$0x0], $0xffff;
	[tilespmem:s8], [sflag:$0x1] =	stream.strided.gather [hbm4b:s13+s9], $0x2000, s10, s9, $0x38  }
0x39: {  	s13 =	simm.s32 $0x2  }
0x3a: {  	_ =	swait.ge [sflag:s13], $0x2000  }
0x3b: {  	(v2sf) =	vpush v1, $0x7;
	_ =	sdelay $0x8  }
0x3c: {  	v18 =	vor.u32 $0x2000, v14;
	s21 =	sand.u32 $0x7F, s21  }
0x3d: {  	v19 =	vor.u32 $0x2800, v14;
	v6 =	vor.u32 s21, v18  }
0x3e: {  	v20 =	vor.u32 $0x3000, v14;
	v7 =	vor.u32 s21, v19  }
0x3f: {  	v21 =	vor.u32 $0x3800, v14;
	v9 =	vor.u32 s21, v20  }
0x40: {  	v10 =	vor.u32 s21, v21;
	[sflag:s13] =	ssyncset.done $0x0  }
0x41: {  	[sflag:s13] =	ssyncadd.s32 $0xFFFFE000  }
0x42: {  	v8 =	vld.idx.msk [tilespmem:v6+s8+$0x0], $0xffff;
	s21 =	spop (v2sf)  }
0x43: {  	v6 =	vld.idx.msk [tilespmem:v7+s8+$0x0], $0xffff;
	s24 =	sand.u32 $0xFFFFF80, s21  }
0x44: {  	v7 =	vld.idx.msk [tilespmem:v9+s8+$0x0], $0xffff;
	s24 =	sadd.s32 s7, s24  }
0x45: {  	v9 =	vld.idx.msk [tilespmem:v10+s8+$0x0], $0xffff;
	[tilespmem:s15], [sflag:$0x2] =	stream.strided.gather [hbm4b:s24+s9], $0x2000, s10, s9, $0x38  }
0x46: {  	s15 =	simm.s32 $0x3  }
0x47: {  	_ =	swait.ge [sflag:s15], $0x2000  }
0x48: {  	(v2sf) =	vpush v1, $0x8;
	_ =	sdelay $0x8  }
0x49: {  	v22 =	vor.u32 $0x4000, v14;
	s22 =	sand.u32 $0x7F, s22  }
0x4a: {  	v23 =	vor.u32 $0x4800, v14;
	v10 =	vor.u32 s22, v22  }
0x4b: {  	v24 =	vor.u32 $0x5000, v14;
	v11 =	vor.u32 s22, v23  }
0x4c: {  	v25 =	vor.u32 $0x5800, v14;
	v13 =	vor.u32 s22, v24  }
0x4d: {  	v26 =	vor.u32 s22, v25;
	[sflag:s15] =	ssyncset.done $0x0  }
0x4e: {  	[sflag:s15] =	ssyncadd.s32 $0xFFFFE000  }
0x4f: {  	v12 =	vld.idx.msk [tilespmem:v10+s8+$0x0], $0xffff;
	s22 =	spop (v2sf)  }
0x50: {  	v10 =	vld.idx.msk [tilespmem:v11+s8+$0x0], $0xffff;
	s31 =	sand.u32 $0xFFFFF80, s22  }
0x51: {  	v11 =	vld.idx.msk [tilespmem:v13+s8+$0x0], $0xffff;
	s24 =	sadd.s32 s7, s31  }
0x52: {  	v13 =	vld.idx.msk [tilespmem:v26+s8+$0x0], $0xffff;
	[tilespmem:s18], [sflag:$0x3] =	stream.strided.gather [hbm4b:s24+s9], $0x2000, s10, s9, $0x38  }
0x53: {  	s18 =	simm.s32 $0x4  }
0x54: {  	_ =	swait.ge [sflag:s18], $0x2000  }
0x55: {  	(v2sf) =	vpush v1, $0x9;
	_ =	sdelay $0x8  }
0x56: {  	v63 =	vor.u32 $0x6000, v14;
	s23 =	sand.u32 $0x7F, s23  }
0x57: {  	v28 =	vor.u32 $0x6800, v14;
	v27 =	vor.u32 s23, v63  }
0x58: {  	v30 =	vor.u32 $0x7000, v14;
	v29 =	vor.u32 s23, v28  }
0x59: {  	v32 =	vor.u32 $0x7800, v14;
	v31 =	vor.u32 s23, v30  }
0x5a: {  	v33 =	vor.u32 s23, v32;
	[sflag:s18] =	ssyncset.done $0x0  }
0x5b: {  	[sflag:s18] =	ssyncadd.s32 $0xFFFFE000  }
0x5c: {  	v27 =	vld.idx.msk [tilespmem:v27+s8+$0x0], $0xffff;
	s23 =	spop (v2sf)  }
0x5d: {  	v29 =	vld.idx.msk [tilespmem:v29+s8+$0x0], $0xffff;
	s25 =	sand.u32 $0xFFFFF80, s23  }
0x5e: {  	v31 =	vld.idx.msk [tilespmem:v31+s8+$0x0], $0xffff;
	s24 =	sadd.s32 s7, s25  }
0x5f: {  	v33 =	vld.idx.msk [tilespmem:v33+s8+$0x0], $0xffff;
	[tilespmem:s19], [sflag:$0x4] =	stream.strided.gather [hbm4b:s24+s9], $0x2000, s10, s9, $0x38  }
0x60: {  	s19 =	simm.s32 $0x5  }
0x61: {  	_ =	swait.ge [sflag:s19], $0x2000  }
0x62: {  	(v2sf) =	vpush v1, $0xA;
	_ =	sdelay $0x8  }
0x63: {  	v34 =	vor.u32 $0x8000, v14;
	s20 =	sand.u32 $0x7F, s20  }
0x64: {  	v36 =	vor.u32 $0x8800, v14;
	v35 =	vor.u32 s20, v34  }
0x65: {  	v38 =	vor.u32 $0x9000, v14;
	v37 =	vor.u32 s20, v36  }
0x66: {  	v40 =	vor.u32 $0x9800, v14;
	v39 =	vor.u32 s20, v38  }
0x67: {  	v41 =	vor.u32 s20, v40;
	[sflag:s19] =	ssyncset.done $0x0  }
0x68: {  	[sflag:s19] =	ssyncadd.s32 $0xFFFFE000  }
0x69: {  	v35 =	vld.idx.msk [tilespmem:v35+s8+$0x0], $0xffff;
	s26 =	spop (v2sf)  }
0x6a: {  	v37 =	vld.idx.msk [tilespmem:v37+s8+$0x0], $0xffff;
	s28 =	sand.u32 $0xFFFFF80, s26  }
0x6b: {  	s29 =	simm.s32 $0x6;
	v39 =	vld.idx.msk [tilespmem:v39+s8+$0x0], $0xffff;
	s24 =	sadd.s32 s7, s28  }
0x6c: {  	v41 =	vld.idx.msk [tilespmem:v41+s8+$0x0], $0xffff;
	[tilespmem:s14], [sflag:$0x5] =	stream.strided.gather [hbm4b:s24+s9], $0x2000, s10, s9, $0x38  }
0x6d: {  	_ =	swait.ge [sflag:s29], $0x2000  }
0x6e: {  	(v2sf) =	vpush v1, $0xB;
	_ =	sdelay $0x8  }
0x6f: {  	v42 =	vor.u32 $0xA000, v14;
	s16 =	sand.u32 $0x7F, s16  }
0x70: {  	v44 =	vor.u32 $0xA800, v14;
	v43 =	vor.u32 s16, v42  }
0x71: {  	v46 =	vor.u32 $0xB000, v14;
	v45 =	vor.u32 s16, v44  }
0x72: {  	v48 =	vor.u32 $0xB800, v14;
	v47 =	vor.u32 s16, v46  }
0x73: {  	v49 =	vor.u32 s16, v48;
	[sflag:s29] =	ssyncset.done $0x0  }
0x74: {  	[sflag:s29] =	ssyncadd.s32 $0xFFFFE000  }
0x75: {  	v43 =	vld.idx.msk [tilespmem:v43+s8+$0x0], $0xffff;
	s30 =	spop (v2sf)  }
0x76: {  	s17 =	sand.u32 $0x7F, s17;
	v45 =	vld.idx.msk [tilespmem:v45+s8+$0x0], $0xffff;
	s31 =	sand.u32 $0xFFFFF80, s30  }
0x77: {  	v14 =	vor.u32 s17, v14;
	v47 =	vld.idx.msk [tilespmem:v47+s8+$0x0], $0xffff;
	s24 =	sadd.s32 s7, s31  }
0x78: {  	v15 =	vor.u32 s17, v15;
	v49 =	vld.idx.msk [tilespmem:v49+s8+$0x0], $0xffff;
	[tilespmem:s12], [sflag:$0x6] =	stream.strided.gather [hbm4b:s24+s9], $0x2000, s10, s9, $0x38  }
0x79: {  	v16 =	vor.u32 s17, v16;
	_ =	swait.ge [sflag:s11], $0x2000  }
0x7a: {  	v17 =	vor.u32 s17, v17;
	[sflag:s11] =	ssyncset.done $0x0  }
0x7b: {  	[sflag:s11] =	ssyncadd.s32 $0xFFFFE000  }
0x7c: {  	s21 =	sand.u32 $0x7F, s21;
	v14 =	vld.idx.msk [tilespmem:v14+s8+$0x0], $0xffff  }
0x7d: {  	v18 =	vor.u32 s21, v18;
	v15 =	vld.idx.msk [tilespmem:v15+s8+$0x0], $0xffff  }
0x7e: {  	v19 =	vor.u32 s21, v19;
	v16 =	vld.idx.msk [tilespmem:v16+s8+$0x0], $0xffff  }
0x7f: {  	v20 =	vor.u32 s21, v20;
	v17 =	vld.idx.msk [tilespmem:v17+s8+$0x0], $0xffff;
	_ =	swait.ge [sflag:s13], $0x2000  }
0x80: {  	v21 =	vor.u32 s21, v21;
	[sflag:s13] =	ssyncset.done $0x0  }
0x81: {  	[sflag:s13] =	ssyncadd.s32 $0xFFFFE000  }
0x82: {  	s22 =	sand.u32 $0x7F, s22;
	v18 =	vld.idx.msk [tilespmem:v18+s8+$0x0], $0xffff  }
0x83: {  	v22 =	vor.u32 s22, v22;
	v19 =	vld.idx.msk [tilespmem:v19+s8+$0x0], $0xffff  }
0x84: {  	v23 =	vor.u32 s22, v23;
	v20 =	vld.idx.msk [tilespmem:v20+s8+$0x0], $0xffff  }
0x85: {  	v24 =	vor.u32 s22, v24;
	v21 =	vld.idx.msk [tilespmem:v21+s8+$0x0], $0xffff;
	_ =	swait.ge [sflag:s15], $0x2000  }
0x86: {  	v25 =	vor.u32 s22, v25;
	[sflag:s15] =	ssyncset.done $0x0  }
0x87: {  	[sflag:s15] =	ssyncadd.s32 $0xFFFFE000  }
0x88: {  	s24 =	sand.u32 $0x7F, s23;
	v22 =	vld.idx.msk [tilespmem:v22+s8+$0x0], $0xffff  }
0x89: {  	v26 =	vor.u32 s24, v63;
	v23 =	vld.idx.msk [tilespmem:v23+s8+$0x0], $0xffff  }
0x8a: {  	v28 =	vor.u32 s24, v28;
	v24 =	vld.idx.msk [tilespmem:v24+s8+$0x0], $0xffff  }
0x8b: {  	v30 =	vor.u32 s24, v30;
	v25 =	vld.idx.msk [tilespmem:v25+s8+$0x0], $0xffff;
	_ =	swait.ge [sflag:s18], $0x2000  }
0x8c: {  	v32 =	vor.u32 s24, v32;
	[sflag:s18] =	ssyncset.done $0x0  }
0x8d: {  	[sflag:s18] =	ssyncadd.s32 $0xFFFFE000  }
0x8e: {  	v3 =	vadd.f32 $0.0e+00, v3;
	s25 =	sand.u32 $0x7F, s26;
	v26 =	vld.idx.msk [tilespmem:v26+s8+$0x0], $0xffff  }
0x8f: {  	v4 =	vadd.f32 $0.0e+00, v4;
	v34 =	vor.u32 s25, v34;
	v28 =	vld.idx.msk [tilespmem:v28+s8+$0x0], $0xffff  }
0x90: {  	v5 =	vadd.f32 $0.0e+00, v5;
	v3 =	vadd.f32 v6, v3;
	v36 =	vor.u32 s25, v36;
	v30 =	vld.idx.msk [tilespmem:v30+s8+$0x0], $0xffff  }
0x91: {  	v2 =	vadd.f32 $0.0e+00, v2;
	v4 =	vadd.f32 v8, v4;
	v38 =	vor.u32 s25, v38;
	v32 =	vld.idx.msk [tilespmem:v32+s8+$0x0], $0xffff;
	_ =	swait.ge [sflag:s19], $0x2000  }
0x92: {  	v5 =	vadd.f32 v9, v5;
	v3 =	vadd.f32 v10, v3;
	v8 =	vor.u32 s25, v40;
	[sflag:s19] =	ssyncset.done $0x0  }
0x93: {  	v2 =	vadd.f32 v7, v2;
	v4 =	vadd.f32 v12, v4;
	[sflag:s19] =	ssyncadd.s32 $0xFFFFE000  }
0x94: {  	v5 =	vadd.f32 v13, v5;
	v3 =	vadd.f32 v29, v3;
	v6 =	vld.idx.msk [tilespmem:v34+s8+$0x0], $0xffff  }
0x95: {  	v2 =	vadd.f32 v11, v2;
	v4 =	vadd.f32 v27, v4;
	v7 =	vld.idx.msk [tilespmem:v36+s8+$0x0], $0xffff  }
0x96: {  	v5 =	vadd.f32 v33, v5;
	v3 =	vadd.f32 v37, v3;
	v9 =	vld.idx.msk [tilespmem:v38+s8+$0x0], $0xffff  }
0x97: {  	p0 =	sgt.u32 s1, $0x7;
	v2 =	vadd.f32 v31, v2;
	v4 =	vadd.f32 v35, v4;
	v8 =	vld.idx.msk [tilespmem:v8+s8+$0x0], $0xffff;
	_ =	swait.ge [sflag:s29], $0x2000  }
0x98: {  	v3 =	vadd.f32 v45, v3;
	(v2sf) =	vpush @!p0 v1, $0xC  }
0x99: {  	v1 =	vadd.f32 v39, v2;
	v2 =	vadd.f32 v43, v4  }
0x9a: {  	s26 =	sand.u32 $0x7F, s30;
	v3 =	vadd.f32 v15, v3;
	v4 =	vadd.f32 v41, v5  }
0x9b: {  	v10 =	vor.u32 s26, v44;
	v1 =	vadd.f32 v47, v1;
	v2 =	vadd.f32 v14, v2  }
0x9c: {  	v3 =	vadd.f32 v19, v3;
	v5 =	vor.u32 s26, v42;
	v4 =	vadd.f32 v49, v4  }
0x9d: {  	v11 =	vor.u32 s26, v46;
	v1 =	vadd.f32 v16, v1;
	v2 =	vadd.f32 v18, v2  }
0x9e: {  	v12 =	vor.u32 s26, v48;
	v3 =	vadd.f32 v23, v3;
	[sflag:s29] =	ssyncset.done $0x0;
	v4 =	vadd.f32 v17, v4  }
0x9f: {  	[sflag:s29] =	ssyncadd.s32 $0xFFFFE000;
	v1 =	vadd.f32 v20, v1;
	v2 =	vadd.f32 v22, v2  }
0xa0: {  	v3 =	vadd.f32 v28, v3;
	v10 =	vld.idx.msk [tilespmem:v10+s8+$0x0], $0xffff;
	v4 =	vadd.f32 v21, v4  }
0xa1: {  	v5 =	vld.idx.msk [tilespmem:v5+s8+$0x0], $0xffff;
	v1 =	vadd.f32 v24, v1;
	v2 =	vadd.f32 v26, v2  }
0xa2: {  	v11 =	vld.idx.msk [tilespmem:v11+s8+$0x0], $0xffff;
	v3 =	vadd.f32 v7, v3;
	v4 =	vadd.f32 v25, v4  }
0xa3: {  	v1 =	vadd.f32 v30, v1;
	v2 =	vadd.f32 v6, v2;
	v6 =	vld.idx.msk [tilespmem:v12+s8+$0x0], $0xffff  }
0xa4: {  	v4 =	vadd.f32 v32, v4  }
0xa5: {  	v3 =	vadd.f32 v10, v3;
	v1 =	vadd.f32 v9, v1  }
0xa6: {  	v2 =	vadd.f32 v5, v2;
	v4 =	vadd.f32 v8, v4  }
0xa7: {  	[tilespmem:$0xC110] =	vst v3;
	v1 =	vadd.f32 v11, v1  }
0xa8: {  	[tilespmem:$0xC100] =	vst v2;
	s8 =	spop @!p0 (v2sf);
	v2 =	vadd.f32 v6, v4  }
0xa9: {  	s10 =	simm.s32 @!p0 $0x7A1400;
	s9 =	sand.u32 @!p0 $0xFFFFF80, s8;
	[tilespmem:$0xC120] =	vst v1  }
0xaa: {  	s11 =	simm.s32 @!p0 $0x100;
	s7 =	sadd.s32 @!p0 s7, s9;
	[tilespmem:$0xC130] =	vst v2;
	s9 =	simm.s32 @!p0 $0x400  }
0xab: {  	[tilespmem:s11], [sflag:$0x1] =	stream.strided.gather @!p0 [hbm4b:s7+s9], $0x2000, s10, s9, $0x38;
	[tilespmem:$0xEB80] =	vst v63  }
0xac: {  	v1 =	vlaneseq.u32 @!p0;
	s7 =	simm.s32 @!p0 $0x1  }
0xad: {  	v1 =	vmul.u32 @!p0 $0x80, v1;
	_ =	swait.ge @!p0 [sflag:s7], $0x2000  }
0xae: {  	s8 =	sand.u32 @!p0 $0x7F, s8;
	[sflag:s7] =	ssyncset.done @!p0 $0x0  }
0xaf: {  	v2 =	vor.u32 @!p0 s8, v1;
	v3 =	vor.u32 @!p0 $0x800, v1;
	[sflag:s7] =	ssyncadd.s32 @!p0 $0xFFFFE000  }
0xb0: {  	v5 =	vor.u32 @!p0 $0x1000, v1;
	v3 =	vor.u32 @!p0 s8, v3;
	v4 =	vld @!p0 [tilespmem:$0xC100]  }
0xb1: {  	v1 =	vor.u32 @!p0 $0x1800, v1;
	v5 =	vor.u32 @!p0 s8, v5;
	v6 =	vld @!p0 [tilespmem:$0xC110]  }
0xb2: {  	v1 =	vor.u32 @!p0 s8, v1;
	v7 =	vld @!p0 [tilespmem:$0xC120]  }
0xb3: {  	v8 =	vld @!p0 [tilespmem:$0xC130]  }
0xb4: {  	v2 =	vld.idx.msk @!p0 [tilespmem:v2+s11+$0x0], $0xffff  }
0xb5: {  	v3 =	vld.idx.msk @!p0 [tilespmem:v3+s11+$0x0], $0xffff  }
0xb6: {  	v5 =	vld.idx.msk @!p0 [tilespmem:v5+s11+$0x0], $0xffff  }
0xb7: {  	v1 =	vld.idx.msk @!p0 [tilespmem:v1+s11+$0x0], $0xffff;
	_ =	sdelay $0x1  }
0xb8: {  	v2 =	vadd.f32 @!p0 v2, v4  }
0xb9: {  	v3 =	vadd.f32 @!p0 v3, v6  }
0xba: {  	v4 =	vadd.f32 @!p0 v5, v7;
	[tilespmem:$0xC100] =	vst @!p0 v2  }
0xbb: {  	v1 =	vadd.f32 @!p0 v1, v8;
	[tilespmem:$0xC110] =	vst @!p0 v3  }
0xbc: {  	s28 =	sshll.u32 s1, $0x7;
	[tilespmem:$0xC120] =	vst @!p0 v4  }
0xbd: {  	s29 =	simm.s32 $0xC100;
	s7 =	sadd.s32 s28, s5;
	[tilespmem:$0xC130] =	vst @!p0 v1  }
0xbe: {  	[spmem:s7] =	stream.linear.scatter [tilespmem:s29], [sflag:$0x9], $0x80, $0x38;
	[tilespmem:$0xEB80] =	vst v63  }
0xbf: {  	_ =	swait.ge [sflag:s6], $0x80  }
0xc0: {  	[sflag:s6] =	ssyncset.done $0x0  }
0xc1: {  	s30 =	simm.s32 $0x0;
	v5 =	vor.u32 $0x30, v0;
	[sflag:s6] =	ssyncadd.s32 $0xFFFFFF80  }
0xc2: {  	v4 =	vor.u32 s30, v5;
	s7 =	simm.s32 $0xC200;
	[bflag:$0x0] =	sbarrier.arrive $0xFFFF  }
0xc3: {  	v10 =	vor.u32 s30, v0;
	v6 =	vor.u32 $0x10, v0;
	[tilespmem:s7], [sflag:$0x9] =	stream.linear.gather [spmem:s5], $0x800, $0x38;
	[tilespmem:$0xEB80] =	vst v63  }
0xc4: {  	v7 =	vor.u32 $0x20, v0;
	v12 =	vor.u32 s30, v6;
	_ =	swait.ge [sflag:s6], $0x800  }
0xc5: {  	v16 =	vor.u32 s30, v7;
	[sflag:s6] =	ssyncset.done $0x0  }
0xc6: {  	[sflag:s6] =	ssyncadd.s32 $0xFFFFF800  }
0xc7: {  	s4 =	sand.u32 $0x40, s4;
	s31 =	simm.s32 $0x80;
	v19 =	vimm.f32 $0.0e+00;
	v17 =	vimm.f32 $0.0e+00;
	v18 =	vimm.f32 $0.0e+00;
	v8 =	vld.idx.msk [tilespmem:v4+s7+$0x0], $0xffff  }
0xc8: {  	v9 =	vimm.f32 $0.0e+00;
	v11 =	vor.u32 s31, v0;
	v2 =	vor.u32 s4, v7;
	v10 =	vld.idx.msk [tilespmem:v10+s7+$0x0], $0xffff  }
0xc9: {  	v13 =	vor.u32 s31, v6;
	v15 =	vor.u32 s31, v5;
	v14 =	vor.u32 s31, v7;
	v12 =	vld.idx.msk [tilespmem:v12+s7+$0x0], $0xffff  }
0xca: {  	s2 =	sadd.s32 s2, s3;
	s3 =	simm.s32 $0x2;
	v1 =	vor.u32 s4, v0;
	v3 =	vor.u32 s4, v6;
	v4 =	vor.u32 s4, v5;
	v16 =	vld.idx.msk [tilespmem:v16+s7+$0x0], $0xffff  }
.LBB2_1:
0xcb: {  	_ = 	snop  }
0xcc: {  	p0 =	sne.s32 s3, $0xF  }
.Ltmp0:
0xcd: {  	_ = 	snop;
	(pc) =	sbr.rel @p0 .LBB2_1-.Ltmp0, $4  }
0xce: {  	s4 =	sshll.u32 s3, $0x7;
	v9 =	vadd.f32 v8, v9;
	v8 =	vld.idx.msk [tilespmem:v15+s7+$0x0], $0xffff  }
0xcf: {  	v20 =	vor.u32 s4, v6;
	v22 =	vor.u32 s4, v7;
	v21 =	vmov v10;
	v10 =	vld.idx.msk [tilespmem:v11+s7+$0x0], $0xffff  }
0xd0: {  	v15 =	vor.u32 s4, v5;
	v11 =	vor.u32 s4, v0;
	v18 =	vadd.f32 v12, v18;
	v12 =	vld.idx.msk [tilespmem:v13+s7+$0x0], $0xffff  }
0xd1: {  	s3 =	sadd.s32 $0x1, s3;
	v13 =	vmovc v20;
	v19 =	vadd.f32 v16, v19;
	v16 =	vld.idx.msk [tilespmem:v14+s7+$0x0], $0xffff;
	v14 =	vmov v22;
	v17 =	vadd.f32 v21, v17  }
0xd2: {  	_ =	sdelay $0x3  }
0xd3: {  	v0 =	vld.idx.msk [tilespmem:v11+s7+$0x0], $0xffff  }
0xd4: {  	v5 =	vld.idx.msk [tilespmem:v13+s7+$0x0], $0xffff  }
0xd5: {  	v6 =	vld.idx.msk [tilespmem:v14+s7+$0x0], $0xffff  }
0xd6: {  	v7 =	vld.idx.msk [tilespmem:v15+s7+$0x0], $0xffff;
	v10 =	vadd.f32 v10, v17  }
0xd7: {  	v11 =	vadd.f32 v12, v18  }
0xd8: {  	v12 =	vadd.f32 v16, v19;
	v0 =	vadd.f32 v0, v10  }
0xd9: {  	v8 =	vadd.f32 v8, v9;
	v5 =	vadd.f32 v5, v11  }
0xda: {  	v6 =	vadd.f32 v6, v12;
	[tilespmem:$0xCA00] =	vst v0  }
0xdb: {  	v0 =	vadd.f32 v7, v8;
	[tilespmem:$0xCA10] =	vst v5  }
0xdc: {  	[tilespmem:$0xCA20] =	vst v6  }
0xdd: {  	s3 =	simm.s32 $0x7;
	[tilespmem:$0xCA30] =	vst v0  }
0xde: {  	_ =	swait.ge [sflag:s3], $0x2000  }
0xdf: {  	[sflag:s3] =	ssyncset.done $0x0  }
0xe0: {  	s30 =	simm.s32 $0x8;
	s4 =	simm.s32 $0x0;
	[sflag:s3] =	ssyncadd.s32 $0xFFFFE000  }
0xe1: {  	v8 =	vmov s4;
	_ =	swait.ge [sflag:s30], $0x40  }
0xe2: {  	v9 =	vshll.u32 v8, $0x7;
	[sflag:s30] =	ssyncset.done $0x0  }
0xe3: {  	v11 =	vor.u32 v9, v1;
	[sflag:s30] =	ssyncadd.s32 $0xFFFFFFC0  }
0xe4: {  	v12 =	vor.u32 v9, v2;
	v5 =	vld [tilespmem:$0xEA80]  }
0xe5: {  	v13 =	vor.u32 v9, v3;
	v0 =	vld [tilespmem:$0xEA90]  }
0xe6: {  	s31 =	simm.s32 $0x1;
	s4 =	simm.s32 $0xCA00;
	v14 =	vor.u32 v9, v4;
	v7 =	vld [tilespmem:$0xEAA0]  }
0xe7: {  	v15 =	vmov s31;
	s3 =	simm.s32 $0xCA80;
	v10 =	vld.idx.msk [tilespmem:v8+s4+$0x0], $0xffff  }
0xe8: {  	v16 =	vshll.u32 v15, $0x7;
	v17 =	vld.idx.msk [tilespmem:v11+s3+$0x0], $0xffff  }
0xe9: {  	v19 =	vor.u32 v16, v1;
	v20 =	vld.idx.msk [tilespmem:v12+s3+$0x0], $0xffff  }
0xea: {  	v22 =	vor.u32 v16, v2;
	v9 =	vld.idx.msk [tilespmem:v13+s3+$0x0], $0xffff  }
0xeb: {  	s5 =	simm.s32 $0x2;
	v18 =	vor.u32 v16, v3;
	v11 =	vld.idx.msk [tilespmem:v14+s3+$0x0], $0xffff  }
0xec: {  	v14 =	vmov s5;
	v8 =	vld.idx.msk [tilespmem:v15+s4+$0x0], $0xffff;
	v15 =	vor.u32 v16, v4  }
0xed: {  	v6 =	vld [tilespmem:$0xEAB0];
	v21 =	vshll.u32 v14, $0x7  }
0xee: {  	v12 =	vld.idx.msk [tilespmem:v19+s3+$0x0], $0xffff;
	v19 =	vor.u32 v21, v3  }
0xef: {  	s5 =	simm.s32 $0x3;
	v13 =	vld.idx.msk [tilespmem:v22+s3+$0x0], $0xffff;
	v16 =	vmul.f32 v17, v10;
	v17 =	vor.u32 v21, v1;
	v20 =	vmul.f32 v20, v10  }
.LBB2_3:
0xf0: {  	p0 =	sne.s32 s5, $0x3F;
	v22 =	vor.u32 v21, v2;
	v21 =	vor.u32 v21, v4;
	v23 =	vmul.f32 v9, v10;
	v9 =	vld.idx.msk [tilespmem:v18+s3+$0x0], $0xffff;
	s6 =	smov.u32 s5;
	s5 =	sadd.s32 $0x1, s5  }
.Ltmp1:
0xf1: {  	v18 =	vmovc v19;
	v7 =	vadd.f32 v20, v7;
	v20 =	vmul.f32 v11, v10;
	v11 =	vld.idx.msk [tilespmem:v15+s3+$0x0], $0xffff;
	v15 =	vmov v21;
	(pc) =	sbr.rel @p0 .LBB2_3-.Ltmp1, $4  }
0xf2: {  	v5 =	vadd.f32 v16, v5;
	v0 =	vadd.f32 v23, v0  }
0xf3: {  	v10 =	vmov v8;
	v6 =	vadd.f32 v20, v6;
	v8 =	vld.idx.msk [tilespmem:v14+s4+$0x0], $0xffff;
	v14 =	vmov s6  }
0xf4: {  	v16 =	vmul.f32 v12, v10;
	v21 =	vshll.u32 v14, $0x7;
	v12 =	vld.idx.msk [tilespmem:v17+s3+$0x0], $0xffff  }
0xf5: {  	v20 =	vmul.f32 v13, v10;
	v17 =	vor.u32 v21, v1;
	v19 =	vor.u32 v21, v3;
	v13 =	vld.idx.msk [tilespmem:v22+s3+$0x0], $0xffff  }
0xf6: {  	_ =	sdelay $0x3  }
0xf7: {  	v1 =	vor.u32 v21, v2;
	v54 =	vld.idx.msk [tilespmem:v18+s3+$0x0], $0xffff  }
0xf8: {  	v3 =	vor.u32 v21, v4;
	v55 =	vld.idx.msk [tilespmem:v15+s3+$0x0], $0xffff  }
0xf9: {  	v14 =	vld.idx.msk [tilespmem:v14+s4+$0x0], $0xffff  }
0xfa: {  	v56 =	vld.idx.msk [tilespmem:v17+s3+$0x0], $0xffff  }
0xfb: {  	v57 =	vld.idx.msk [tilespmem:v19+s3+$0x0], $0xffff  }
0xfc: {  	v9 =	vmul.f32 v9, v10;
	v58 =	vmul.f32 v11, v10;
	v1 =	vld.idx.msk [tilespmem:v1+s3+$0x0], $0xffff  }
0xfd: {  	v5 =	vadd.f32 v16, v5;
	v7 =	vadd.f32 v20, v7;
	v59 =	vmul.f32 v12, v8;
	v3 =	vld.idx.msk [tilespmem:v3+s3+$0x0], $0xffff  }
0xfe: {  	v0 =	vadd.f32 v9, v0;
	v6 =	vadd.f32 v58, v6;
	v2 =	vmul.f32 v54, v8  }
0xff: {  	v60 =	vmul.f32 v13, v8;
	v5 =	vadd.f32 v59, v5;
	v61 =	vmul.f32 v56, v14  }
0x100: {  	v4 =	vmul.f32 v55, v8;
	v62 =	vmul.f32 v57, v14;
	v0 =	vadd.f32 v2, v0  }
0x101: {  	v7 =	vadd.f32 v60, v7;
	v5 =	vadd.f32 v61, v5;
	v1 =	vmul.f32 v1, v14  }
0x102: {  	v4 =	vadd.f32 v4, v6;
	v0 =	vadd.f32 v62, v0;
	v3 =	vmul.f32 v3, v14  }
0x103: {  	[tilespmem:$0xEB00] =	vst v5;
	v1 =	vadd.f32 v1, v7  }
0x104: {  	[tilespmem:$0xEB10] =	vst v0;
	v63 =	vadd.f32 v3, v4  }
0x105: {  	[tilespmem:$0xEB20] =	vst v1  }
0x106: {  	s29 =	simm.s32 $0x0;
	s30 =	simm.s32 $0xEB00;
	s31 =	simm.s32 $0x9;
	[tilespmem:$0xEB30] =	vst v63  }
0x107: {  	[hbm4b:s2+s29] =	stream.linear.scatter [tilespmem:s30], [sflag:$0x9], $0x40, $0x38;
	[tilespmem:$0xEB80] =	vst v63  }
0x108: {  	_ =	swait.ge [sflag:s31], $0x40  }
0x109: {  	[sflag:s31] =	ssyncset.done $0x0  }
0x10a: {  	[sflag:s31] =	ssyncadd.s32 $0xFFFFFFC0  }
0x10b: {  	_ =	sfence.sel $0x180000  }
0x10c: {  	[bflag:$0x0] =	sbarrier.arrive $0xFFFF  }
0x10d: {  	p0 =	sne.s32 s1, $0x0;
	_ =	strace $0x90000047  }
0x10e: {  	s0 =	sadd.s32 @!p0 $0x100000, s0;
	[bflag:$0x2] =	sbarrier.arrive $0xFFFF  }
0x10f: {  	[sflag:s0] =	ssyncadd.tile.s32 @!p0 $0x1;
	_ =	shalt  }
.Lfunc_end2:
_tile_overlayer_lowered:
.L_overlay_start_2:
0x110: {  	(tag) =	ssettag $0x2  }
0x111: {  	s0 =	rddreg [dreg:$0x0];
	s2 =	stileid.u32  }
0x112: {  	s1 =	rddreg [dreg:$0x1];
	p0 =	sne.s32 s2, $0x0  }
0x113: {  	s3 =	rddreg [dreg:$0x2];
	[bflag:$0x3] =	sbarrier.arrive $0xFFFF;
	s2 =	simm.s32 @!p0 $0x1C09  }
0x114: {  	[timem:s3], [sflag:s2] =	dma.local @!p0 [hbm:s0], s1  }
0x115: {  	s0 =	simm.s32 @!p0 $0x9  }
0x116: {  	_ =	swait.ge @!p0 [sflag:s0], s1  }
0x117: {  	s1 =	ssub.s32 @!p0 $0x0, s1;
	[sflag:s0] =	ssyncset.done @!p0 $0x0  }
0x118: {  	[sflag:s0] =	ssyncadd.s32 @!p0 s1  }
0x119: {  	[bflag:$0x3] =	sbarrier.arrive $0xFFFF  }
0x11a: {  	_ =	shalt  }

</sc_bundles>
